<compile_context>
chip_gen: v7x
topology: tpu7x:2x2x1
jax: 0.10.2.dev20260603
libtpu: 0.0.44.dev20260713+nightly
codegen_flags: <defaults>
</compile_context>

<pallas_src>
import functools

import jax
import jax.numpy as jnp
from jax import lax
from jax.experimental import pallas as pl
from jax.experimental.pallas import tpu as pltpu
from jax.experimental.pallas import tpu_sc as plsc

NC = 2
NS = 16
NW = NC * NS
LANES = 16

BATCH = 16384
CD = 3
DIM = 128
ROWS_PER_TILE = BATCH // NW
CHUNK = 128
NCHUNK = ROWS_PER_TILE // CHUNK
RPC = CHUNK // LANES


def _index_body(ct_ref, idx_ref, *, input_dim):
    x = ct_ref[...]
    c = x - jnp.min(x, axis=1, keepdims=True)
    c = c / jnp.max(c, axis=1, keepdims=True)
    scaled = c * float(input_dim)
    idx = scaled.astype(jnp.int32)
    idx_ref[...] = jnp.clip(idx, 0, input_dim - 1)


def _gather_body(enc_hbm, idx_hbm, out_hbm, idx_s, idx_v, gbuf, gsem0, gsem1, osem):
    cid = lax.axis_index("c")
    sid = lax.axis_index("s")
    wid = sid * NC + cid
    pltpu.sync_copy(idx_hbm.at[:, pl.ds(wid * ROWS_PER_TILE, ROWS_PER_TILE)], idx_s)

    @plsc.parallel_loop(0, CD * NCHUNK * RPC)
    def _repack(i):
        j = i // (NCHUNK * RPC)
        r = i % (NCHUNK * RPC)
        idx_v[j * NCHUNK + r // RPC, pl.ds((r % RPC) * LANES, LANES)] = (
            idx_s[j, pl.ds(r * LANES, LANES)])

    def start(k):
        p = k % 2
        sem = gsem0 if p == 0 else gsem1
        return [
            pltpu.async_copy(enc_hbm.at[idx_v.at[j * NCHUNK + k]], gbuf.at[p, j], sem)
            for j in range(CD)
        ]

    cur = start(0)
    outcps = [None] * NCHUNK
    for k in range(NCHUNK):
        p = k % 2
        if k + 1 < NCHUNK:
            if k >= 1:
                outcps[k - 1].wait()
            nxt = start(k + 1)
        for c in cur:
            c.wait()

        @plsc.parallel_loop(0, CHUNK)
        def _add(r, p=p):
            for c8 in range(DIM // LANES):
                sl = pl.ds(c8 * LANES, LANES)
                plsc.addupdate(gbuf.at[p, 0, r, sl], gbuf[p, 1, r, sl] + gbuf[p, 2, r, sl])

        outcps[k] = pltpu.async_copy(
            gbuf.at[p, 0], out_hbm.at[pl.ds(wid * ROWS_PER_TILE + k * CHUNK, CHUNK)], osem
        )
        if k + 1 < NCHUNK:
            cur = nxt
    outcps[NCHUNK - 2].wait()
    outcps[NCHUNK - 1].wait()


def kernel(coordinates, encoding):
    input_dim, dim = encoding.shape
    ct = coordinates.T

    idx = pl.pallas_call(
        functools.partial(_index_body, input_dim=input_dim),
        out_shape=jax.ShapeDtypeStruct((CD, BATCH), jnp.int32),
    )(ct)

    mesh = plsc.VectorSubcoreMesh(core_axis_name="c", subcore_axis_name="s")
    gather = pl.kernel(
        _gather_body,
        out_type=jax.ShapeDtypeStruct((BATCH, dim), jnp.float32),
        mesh=mesh,
        scratch_types=[
            pltpu.VMEM((CD, ROWS_PER_TILE), jnp.int32),
            pltpu.VMEM((CD * NCHUNK, CHUNK), jnp.int32),
            pltpu.VMEM((2, CD, CHUNK, DIM), jnp.float32),
            pltpu.SemaphoreType.DMA,
            pltpu.SemaphoreType.DMA,
            pltpu.SemaphoreType.DMA,
        ],
        compiler_params=pltpu.CompilerParams(
            skip_device_barrier=True,
            disable_bounds_checks=True,
            disable_semaphore_checks=True,
        ),
    )
    return gather(encoding, idx)

# --- scband reference (transcript-rebuilt; emitter-appended) ---
"""Pipeline reference for scband-positional-encoder-27204322853234 (READ-ONLY COPY).

The authoritative reference and input builder live on the scoring server;
editing this copy changes nothing except your own understanding.
"""

import jax, jax.numpy as jnp
import numpy as np
import math

INPUT_DIM = 10000
OUTPUT_DIM = 128
BATCH = 16384
COORD_DIM = 3

def _create_encoding(input_dim, output_dim):
    pos = jnp.arange(0, input_dim, dtype=jnp.float32)[:, None]
    div_term = jnp.exp(jnp.arange(0, output_dim, 2, dtype=jnp.float32) * (-math.log(10000.0) / output_dim))
    encoding = jnp.zeros((input_dim, output_dim), dtype=jnp.float32)
    encoding = encoding.at[:, 0::2].set(jnp.sin(pos * div_term))
    encoding = encoding.at[:, 1::2].set(jnp.cos(pos * div_term))
    return encoding

def setup_inputs(seed: int = 0) -> dict:
    key = jax.random.key(seed)
    k1 = jax.random.fold_in(key, 1)
    coordinates = jax.random.uniform(k1, (BATCH, COORD_DIM), dtype=jnp.float32)
    encoding = _create_encoding(INPUT_DIM, OUTPUT_DIM)
    return {"coordinates": coordinates, "encoding": encoding}

def reference(coordinates, encoding):
    input_dim = encoding.shape[0]
    c = coordinates - jnp.min(coordinates, axis=0)
    c = c / jnp.max(c, axis=0)
    scaled = c * input_dim
    idx = scaled.astype(jnp.int32)
    idx = jnp.clip(idx, 0, input_dim - 1)
    encoded_positions = jnp.take(encoding, idx, axis=0)
    positional_embedding = jnp.sum(encoded_positions, axis=1)
    return positional_embedding

if __name__ == "__main__":
    import jax
    _d = setup_inputs()
    print(jax.jit(kernel)(*tuple(_d.values())))

</pallas_src>

<mosaic_0001>
#map = affine_map<(d0, d1) -> (0, 0)>
module attributes {stable_mosaic.version = 14 : i64} {
  func.func @_gather_body(%arg0: i32, %arg1: i32, %arg2: memref<10000x128xf32, #tpu.memory_space<hbm>>, %arg3: memref<3x16384xi32, #tpu.memory_space<hbm>>, %arg4: memref<16384x128xf32, #tpu.memory_space<hbm>>, %arg5: memref<3x512xi32, #tpu.memory_space<vmem>>, %arg6: memref<12x128xi32, #tpu.memory_space<vmem>>, %arg7: memref<2x3x128x128xf32, #tpu.memory_space<vmem>>, %arg8: memref<!tpu.dma_semaphore, #tpu.memory_space<semaphore_mem>>, %arg9: memref<!tpu.dma_semaphore, #tpu.memory_space<semaphore_mem>>, %arg10: memref<!tpu.dma_semaphore, #tpu.memory_space<semaphore_mem>>) attributes {dimension_semantics = [#tpu.dimension_semantics<core_parallel>, #tpu.dimension_semantics<subcore_parallel>], iteration_bounds = array<i64: 2, 16>, scalar_prefetch = 0 : i64, scratch_operands = 6 : i64, tpu.core_type = #tpu.core_type<sc_vector_subcore>, window_params = [{transform_indices = #map}, {transform_indices = #map}, {transform_indices = #map}]} {
    %mul3A = arith.constant 2 : i32
    %mul3A_0 = arith.muli %arg1, %mul3A : i32
    %add3A = arith.addi %mul3A_0, %arg0 : i32
    %mul3A_1 = arith.constant 512 : i32
    %mul3A_2 = arith.muli %add3A, %mul3A_1 : i32
    "tpu.region"() ({
      %run_scoped3A = tpu.sem_alloc : memref<!tpu.dma_semaphore, #tpu.memory_space<semaphore_mem>>
      %dma_start3A_455 = arith.constant 0 : i32
      %dma_start3A_456 = tpu.memref_slice %arg3[%dma_start3A_455, %mul3A_2] : memref<3x16384xi32, #tpu.memory_space<hbm>> -> memref<3x512xi32, #tpu.memory_space<hbm>>
      %dma_start3A_457 = arith.constant 0 : i32
      %dma_start3A_458 = tpu.memref_slice %arg3[%dma_start3A_457, %mul3A_2] : memref<3x16384xi32, #tpu.memory_space<hbm>> -> memref<3x512xi32, #tpu.memory_space<hbm>>
      tpu.enqueue_dma source(%dma_start3A_458 : memref<3x512xi32, #tpu.memory_space<hbm>>) target(%arg5 : memref<3x512xi32, #tpu.memory_space<vmem>>) target_semaphore(%run_scoped3A : memref<!tpu.dma_semaphore, #tpu.memory_space<semaphore_mem>>)
      %dma_wait3A_459 = arith.constant 0 : i32
      %dma_wait3A_460 = tpu.memref_slice %arg3[%dma_wait3A_459, %mul3A_2] : memref<3x16384xi32, #tpu.memory_space<hbm>> -> memref<3x512xi32, #tpu.memory_space<hbm>>
      %dma_wait3A_461 = arith.constant 0 : i32
      %dma_wait3A_462 = tpu.memref_slice %arg3[%dma_wait3A_461, %mul3A_2] : memref<3x16384xi32, #tpu.memory_space<hbm>> -> memref<3x512xi32, #tpu.memory_space<hbm>>
      tpu.wait_dma2 semaphore(%run_scoped3A : memref<!tpu.dma_semaphore, #tpu.memory_space<semaphore_mem>>) src(%dma_wait3A_462 : memref<3x512xi32, #tpu.memory_space<hbm>>) dst(%arg5 : memref<3x512xi32, #tpu.memory_space<vmem>>)
      tpu.yield
    }) : () -> ()
    %parallel_loop3A = arith.constant 0 : i32
    %parallel_loop3A_3 = arith.constant 96 : i32
    %parallel_loop3A_4 = arith.constant 1 : i32
    scf.for %parallel_loop3A_455 = %parallel_loop3A to %parallel_loop3A_3 step %parallel_loop3A_4  : i32 {
      %parallel_loop3A_456 = arith.constant 32 : i32
      %parallel_loop3A_457 = arith.divsi %parallel_loop3A_455, %parallel_loop3A_456 : i32
      %parallel_loop3A_458 = arith.constant 0 : i32
      %parallel_loop3A_459 = arith.cmpi sgt, %parallel_loop3A_455, %parallel_loop3A_458 : i32
      %parallel_loop3A_460 = arith.extui %parallel_loop3A_459 : i1 to i32
      %parallel_loop3A_461 = arith.constant 0 : i32
      %parallel_loop3A_462 = arith.cmpi slt, %parallel_loop3A_455, %parallel_loop3A_461 : i32
      %parallel_loop3A_463 = arith.extui %parallel_loop3A_462 : i1 to i32
      %parallel_loop3A_464 = arith.subi %parallel_loop3A_460, %parallel_loop3A_463 : i32
      %parallel_loop3A_465 = arith.constant 0 : i32
      %parallel_loop3A_466 = arith.cmpi sgt, %parallel_loop3A_456, %parallel_loop3A_465 : i32
      %parallel_loop3A_467 = arith.extui %parallel_loop3A_466 : i1 to i32
      %parallel_loop3A_468 = arith.constant 0 : i32
      %parallel_loop3A_469 = arith.cmpi slt, %parallel_loop3A_456, %parallel_loop3A_468 : i32
      %parallel_loop3A_470 = arith.extui %parallel_loop3A_469 : i1 to i32
      %parallel_loop3A_471 = arith.subi %parallel_loop3A_467, %parallel_loop3A_470 : i32
      %parallel_loop3A_472 = arith.cmpi ne, %parallel_loop3A_464, %parallel_loop3A_471 : i32
      %parallel_loop3A_473 = arith.remsi %parallel_loop3A_455, %parallel_loop3A_456 : i32
      %parallel_loop3A_474 = arith.constant 0 : i32
      %parallel_loop3A_475 = arith.cmpi ne, %parallel_loop3A_473, %parallel_loop3A_474 : i32
      %parallel_loop3A_476 = arith.andi %parallel_loop3A_472, %parallel_loop3A_475 : i1
      %parallel_loop3A_477 = arith.constant 1 : i32
      %parallel_loop3A_478 = arith.subi %parallel_loop3A_457, %parallel_loop3A_477 : i32
      %parallel_loop3A_479 = arith.select %parallel_loop3A_476, %parallel_loop3A_478, %parallel_loop3A_457 : i32
      %parallel_loop3A_480 = arith.constant 32 : i32
      %parallel_loop3A_481 = arith.constant 0 : i32
      %parallel_loop3A_482 = arith.cmpi eq, %parallel_loop3A_480, %parallel_loop3A_481 : i32
      %parallel_loop3A_483 = arith.constant 1 : i32
      %parallel_loop3A_484 = arith.select %parallel_loop3A_482, %parallel_loop3A_483, %parallel_loop3A_480 : i32
      %parallel_loop3A_485 = arith.remsi %parallel_loop3A_455, %parallel_loop3A_484 : i32
      %parallel_loop3A_486 = arith.constant 0 : i32
      %parallel_loop3A_487 = arith.cmpi ne, %parallel_loop3A_485, %parallel_loop3A_486 : i32
      %parallel_loop3A_488 = arith.constant 0 : i32
      %parallel_loop3A_489 = arith.cmpi slt, %parallel_loop3A_485, %parallel_loop3A_488 : i32
      %parallel_loop3A_490 = arith.constant 0 : i32
      %parallel_loop3A_491 = arith.cmpi slt, %parallel_loop3A_484, %parallel_loop3A_490 : i32
      %parallel_loop3A_492 = arith.xori %parallel_loop3A_489, %parallel_loop3A_491 : i1
      %parallel_loop3A_493 = arith.andi %parallel_loop3A_492, %parallel_loop3A_487 : i1
      %parallel_loop3A_494 = arith.addi %parallel_loop3A_485, %parallel_loop3A_484 : i32
      %parallel_loop3A_495 = arith.select %parallel_loop3A_493, %parallel_loop3A_494, %parallel_loop3A_485 : i32
      %parallel_loop3A_496 = arith.constant 16 : i32
      %parallel_loop3A_497 = arith.muli %parallel_loop3A_495, %parallel_loop3A_496 : i32
      %parallel_loop3A_498 = arith.index_cast %parallel_loop3A_479 : i32 to index
      %parallel_loop3A_499 = arith.index_cast %parallel_loop3A_497 : i32 to index
      %parallel_loop3A_500 = tpu.vector_load %arg5[%parallel_loop3A_498, %parallel_loop3A_499] {strides = array<i32>} : memref<3x512xi32, #tpu.memory_space<vmem>>, vector<1x16xi32>,
      %parallel_loop3A_501 = vector.shape_cast %parallel_loop3A_500 : vector<1x16xi32> to vector<16xi32>
      %parallel_loop3A_502 = arith.constant 4 : i32
      %parallel_loop3A_503 = arith.muli %parallel_loop3A_479, %parallel_loop3A_502 : i32
      %parallel_loop3A_504 = arith.constant 8 : i32
      %parallel_loop3A_505 = arith.divsi %parallel_loop3A_495, %parallel_loop3A_504 : i32
      %parallel_loop3A_506 = arith.constant 0 : i32
      %parallel_loop3A_507 = arith.cmpi sgt, %parallel_loop3A_495, %parallel_loop3A_506 : i32
      %parallel_loop3A_508 = arith.extui %parallel_loop3A_507 : i1 to i32
      %parallel_loop3A_509 = arith.constant 0 : i32
      %parallel_loop3A_510 = arith.cmpi slt, %parallel_loop3A_495, %parallel_loop3A_509 : i32
      %parallel_loop3A_511 = arith.extui %parallel_loop3A_510 : i1 to i32
      %parallel_loop3A_512 = arith.subi %parallel_loop3A_508, %parallel_loop3A_511 : i32
      %parallel_loop3A_513 = arith.constant 0 : i32
      %parallel_loop3A_514 = arith.cmpi sgt, %parallel_loop3A_504, %parallel_loop3A_513 : i32
      %parallel_loop3A_515 = arith.extui %parallel_loop3A_514 : i1 to i32
      %parallel_loop3A_516 = arith.constant 0 : i32
      %parallel_loop3A_517 = arith.cmpi slt, %parallel_loop3A_504, %parallel_loop3A_516 : i32
      %parallel_loop3A_518 = arith.extui %parallel_loop3A_517 : i1 to i32
      %parallel_loop3A_519 = arith.subi %parallel_loop3A_515, %parallel_loop3A_518 : i32
      %parallel_loop3A_520 = arith.cmpi ne, %parallel_loop3A_512, %parallel_loop3A_519 : i32
      %parallel_loop3A_521 = arith.remsi %parallel_loop3A_495, %parallel_loop3A_504 : i32
      %parallel_loop3A_522 = arith.constant 0 : i32
      %parallel_loop3A_523 = arith.cmpi ne, %parallel_loop3A_521, %parallel_loop3A_522 : i32
      %parallel_loop3A_524 = arith.andi %parallel_loop3A_520, %parallel_loop3A_523 : i1
      %parallel_loop3A_525 = arith.constant 1 : i32
      %parallel_loop3A_526 = arith.subi %parallel_loop3A_505, %parallel_loop3A_525 : i32
      %parallel_loop3A_527 = arith.select %parallel_loop3A_524, %parallel_loop3A_526, %parallel_loop3A_505 : i32
      %parallel_loop3A_528 = arith.addi %parallel_loop3A_503, %parallel_loop3A_527 : i32
      %parallel_loop3A_529 = arith.constant 8 : i32
      %parallel_loop3A_530 = arith.constant 0 : i32
      %parallel_loop3A_531 = arith.cmpi eq, %parallel_loop3A_529, %parallel_loop3A_530 : i32
      %parallel_loop3A_532 = arith.constant 1 : i32
      %parallel_loop3A_533 = arith.select %parallel_loop3A_531, %parallel_loop3A_532, %parallel_loop3A_529 : i32
      %parallel_loop3A_534 = arith.remsi %parallel_loop3A_495, %parallel_loop3A_533 : i32
      %parallel_loop3A_535 = arith.constant 0 : i32
      %parallel_loop3A_536 = arith.cmpi ne, %parallel_loop3A_534, %parallel_loop3A_535 : i32
      %parallel_loop3A_537 = arith.constant 0 : i32
      %parallel_loop3A_538 = arith.cmpi slt, %parallel_loop3A_534, %parallel_loop3A_537 : i32
      %parallel_loop3A_539 = arith.constant 0 : i32
      %parallel_loop3A_540 = arith.cmpi slt, %parallel_loop3A_533, %parallel_loop3A_539 : i32
      %parallel_loop3A_541 = arith.xori %parallel_loop3A_538, %parallel_loop3A_540 : i1
      %parallel_loop3A_542 = arith.andi %parallel_loop3A_541, %parallel_loop3A_536 : i1
      %parallel_loop3A_543 = arith.addi %parallel_loop3A_534, %parallel_loop3A_533 : i32
      %parallel_loop3A_544 = arith.select %parallel_loop3A_542, %parallel_loop3A_543, %parallel_loop3A_534 : i32
      %parallel_loop3A_545 = arith.constant 16 : i32
      %parallel_loop3A_546 = arith.muli %parallel_loop3A_544, %parallel_loop3A_545 : i32
      %parallel_loop3A_547 = arith.index_cast %parallel_loop3A_528 : i32 to index
      %parallel_loop3A_548 = arith.index_cast %parallel_loop3A_546 : i32 to index
      %parallel_loop3A_549 = tpu.vector_load %arg6[%parallel_loop3A_547, %parallel_loop3A_548] {strides = array<i32>} : memref<12x128xi32, #tpu.memory_space<vmem>>, vector<1x16xi32>,
      %parallel_loop3A_550 = vector.shape_cast %parallel_loop3A_549 : vector<1x16xi32> to vector<16xi32>
      %parallel_loop3A_551 = vector.shape_cast %parallel_loop3A_501 : vector<16xi32> to vector<1x16xi32>
      tpu.vector_store %arg6[%parallel_loop3A_547, %parallel_loop3A_548], %parallel_loop3A_551 {strides = array<i32>} : memref<12x128xi32, #tpu.memory_space<vmem>>, vector<1x16xi32>,
    } {sc.loop_unroll_factor = 1 : i64, sc.parallel_access}
    %dma_start3A = arith.constant 0 : i32
    %dma_start3A_5 = arith.constant 0 : i32
    %dma_start3A_6 = arith.constant 0 : i32
    %dma_start3A_7 = arith.constant 0 : i32
    %dma_start3A_8 = arith.constant 0 : i32
    %dma_start3A_9 = tpu.memref_slice %arg7[%dma_start3A_5, %dma_start3A_6, %dma_start3A_7, %dma_start3A_8] : memref<2x3x128x128xf32, #tpu.memory_space<vmem>> -> memref<1x1x128x128xf32, #tpu.memory_space<vmem>>
    %dma_start3A_10 = tpu.memref_squeeze %dma_start3A_9 : memref<1x1x128x128xf32, #tpu.memory_space<vmem>> -> memref<128x128xf32, #tpu.memory_space<vmem>>
    %dma_start3A_11 = arith.constant 0 : i32
    %dma_start3A_12 = tpu.memref_slice %arg6[%dma_start3A, %dma_start3A_11] : memref<12x128xi32, #tpu.memory_space<vmem>> -> memref<1x128xi32, #tpu.memory_space<vmem>>
    %dma_start3A_13 = tpu.memref_squeeze %dma_start3A_12 : memref<1x128xi32, #tpu.memory_space<vmem>> -> memref<128xi32, #tpu.memory_space<vmem>>
    %dma_start3A_14 = arith.constant 0 : i32
    %dma_start3A_15 = arith.constant 0 : i32
    %dma_start3A_16 = tpu.memref_slice %arg2[%dma_start3A_14, %dma_start3A_15] : memref<10000x128xf32, #tpu.memory_space<hbm>> -> memref<10000x128xf32, #tpu.memory_space<hbm>>
    tpu.enqueue_indirect_dma source(%dma_start3A_16 : memref<10000x128xf32, #tpu.memory_space<hbm>>) target(%dma_start3A_10 : memref<128x128xf32, #tpu.memory_space<vmem>>) offsets(%dma_start3A_13 : memref<128xi32, #tpu.memory_space<vmem>>) semaphore(%arg8 : memref<!tpu.dma_semaphore, #tpu.memory_space<semaphore_mem>>)
    %dma_start3A_17 = arith.constant 4 : i32
    %dma_start3A_18 = arith.constant 0 : i32
    %dma_start3A_19 = arith.constant 1 : i32
    %dma_start3A_20 = arith.constant 0 : i32
    %dma_start3A_21 = arith.constant 0 : i32
    %dma_start3A_22 = tpu.memref_slice %arg7[%dma_start3A_18, %dma_start3A_19, %dma_start3A_20, %dma_start3A_21] : memref<2x3x128x128xf32, #tpu.memory_space<vmem>> -> memref<1x1x128x128xf32, #tpu.memory_space<vmem>>
    %dma_start3A_23 = tpu.memref_squeeze %dma_start3A_22 : memref<1x1x128x128xf32, #tpu.memory_space<vmem>> -> memref<128x128xf32, #tpu.memory_space<vmem>>
    %dma_start3A_24 = arith.constant 0 : i32
    %dma_start3A_25 = tpu.memref_slice %arg6[%dma_start3A_17, %dma_start3A_24] : memref<12x128xi32, #tpu.memory_space<vmem>> -> memref<1x128xi32, #tpu.memory_space<vmem>>
    %dma_start3A_26 = tpu.memref_squeeze %dma_start3A_25 : memref<1x128xi32, #tpu.memory_space<vmem>> -> memref<128xi32, #tpu.memory_space<vmem>>
    %dma_start3A_27 = arith.constant 0 : i32
    %dma_start3A_28 = arith.constant 0 : i32
    %dma_start3A_29 = tpu.memref_slice %arg2[%dma_start3A_27, %dma_start3A_28] : memref<10000x128xf32, #tpu.memory_space<hbm>> -> memref<10000x128xf32, #tpu.memory_space<hbm>>
    tpu.enqueue_indirect_dma source(%dma_start3A_29 : memref<10000x128xf32, #tpu.memory_space<hbm>>) target(%dma_start3A_23 : memref<128x128xf32, #tpu.memory_space<vmem>>) offsets(%dma_start3A_26 : memref<128xi32, #tpu.memory_space<vmem>>) semaphore(%arg8 : memref<!tpu.dma_semaphore, #tpu.memory_space<semaphore_mem>>)
    %dma_start3A_30 = arith.constant 8 : i32
    %dma_start3A_31 = arith.constant 0 : i32
    %dma_start3A_32 = arith.constant 2 : i32
    %dma_start3A_33 = arith.constant 0 : i32
    %dma_start3A_34 = arith.constant 0 : i32
    %dma_start3A_35 = tpu.memref_slice %arg7[%dma_start3A_31, %dma_start3A_32, %dma_start3A_33, %dma_start3A_34] : memref<2x3x128x128xf32, #tpu.memory_space<vmem>> -> memref<1x1x128x128xf32, #tpu.memory_space<vmem>>
    %dma_start3A_36 = tpu.memref_squeeze %dma_start3A_35 : memref<1x1x128x128xf32, #tpu.memory_space<vmem>> -> memref<128x128xf32, #tpu.memory_space<vmem>>
    %dma_start3A_37 = arith.constant 0 : i32
    %dma_start3A_38 = tpu.memref_slice %arg6[%dma_start3A_30, %dma_start3A_37] : memref<12x128xi32, #tpu.memory_space<vmem>> -> memref<1x128xi32, #tpu.memory_space<vmem>>
    %dma_start3A_39 = tpu.memref_squeeze %dma_start3A_38 : memref<1x128xi32, #tpu.memory_space<vmem>> -> memref<128xi32, #tpu.memory_space<vmem>>
    %dma_start3A_40 = arith.constant 0 : i32
    %dma_start3A_41 = arith.constant 0 : i32
    %dma_start3A_42 = tpu.memref_slice %arg2[%dma_start3A_40, %dma_start3A_41] : memref<10000x128xf32, #tpu.memory_space<hbm>> -> memref<10000x128xf32, #tpu.memory_space<hbm>>
    tpu.enqueue_indirect_dma source(%dma_start3A_42 : memref<10000x128xf32, #tpu.memory_space<hbm>>) target(%dma_start3A_36 : memref<128x128xf32, #tpu.memory_space<vmem>>) offsets(%dma_start3A_39 : memref<128xi32, #tpu.memory_space<vmem>>) semaphore(%arg8 : memref<!tpu.dma_semaphore, #tpu.memory_space<semaphore_mem>>)
    %dma_start3A_43 = arith.constant 1 : i32
    %dma_start3A_44 = arith.constant 1 : i32
    %dma_start3A_45 = arith.constant 0 : i32
    %dma_start3A_46 = arith.constant 0 : i32
    %dma_start3A_47 = arith.constant 0 : i32
    %dma_start3A_48 = tpu.memref_slice %arg7[%dma_start3A_44, %dma_start3A_45, %dma_start3A_46, %dma_start3A_47] : memref<2x3x128x128xf32, #tpu.memory_space<vmem>> -> memref<1x1x128x128xf32, #tpu.memory_space<vmem>>
    %dma_start3A_49 = tpu.memref_squeeze %dma_start3A_48 : memref<1x1x128x128xf32, #tpu.memory_space<vmem>> -> memref<128x128xf32, #tpu.memory_space<vmem>>
    %dma_start3A_50 = arith.constant 0 : i32
    %dma_start3A_51 = tpu.memref_slice %arg6[%dma_start3A_43, %dma_start3A_50] : memref<12x128xi32, #tpu.memory_space<vmem>> -> memref<1x128xi32, #tpu.memory_space<vmem>>
    %dma_start3A_52 = tpu.memref_squeeze %dma_start3A_51 : memref<1x128xi32, #tpu.memory_space<vmem>> -> memref<128xi32, #tpu.memory_space<vmem>>
    %dma_start3A_53 = arith.constant 0 : i32
    %dma_start3A_54 = arith.constant 0 : i32
    %dma_start3A_55 = tpu.memref_slice %arg2[%dma_start3A_53, %dma_start3A_54] : memref<10000x128xf32, #tpu.memory_space<hbm>> -> memref<10000x128xf32, #tpu.memory_space<hbm>>
    tpu.enqueue_indirect_dma source(%dma_start3A_55 : memref<10000x128xf32, #tpu.memory_space<hbm>>) target(%dma_start3A_49 : memref<128x128xf32, #tpu.memory_space<vmem>>) offsets(%dma_start3A_52 : memref<128xi32, #tpu.memory_space<vmem>>) semaphore(%arg9 : memref<!tpu.dma_semaphore, #tpu.memory_space<semaphore_mem>>)
    %dma_start3A_56 = arith.constant 5 : i32
    %dma_start3A_57 = arith.constant 1 : i32
    %dma_start3A_58 = arith.constant 1 : i32
    %dma_start3A_59 = arith.constant 0 : i32
    %dma_start3A_60 = arith.constant 0 : i32
    %dma_start3A_61 = tpu.memref_slice %arg7[%dma_start3A_57, %dma_start3A_58, %dma_start3A_59, %dma_start3A_60] : memref<2x3x128x128xf32, #tpu.memory_space<vmem>> -> memref<1x1x128x128xf32, #tpu.memory_space<vmem>>
    %dma_start3A_62 = tpu.memref_squeeze %dma_start3A_61 : memref<1x1x128x128xf32, #tpu.memory_space<vmem>> -> memref<128x128xf32, #tpu.memory_space<vmem>>
    %dma_start3A_63 = arith.constant 0 : i32
    %dma_start3A_64 = tpu.memref_slice %arg6[%dma_start3A_56, %dma_start3A_63] : memref<12x128xi32, #tpu.memory_space<vmem>> -> memref<1x128xi32, #tpu.memory_space<vmem>>
    %dma_start3A_65 = tpu.memref_squeeze %dma_start3A_64 : memref<1x128xi32, #tpu.memory_space<vmem>> -> memref<128xi32, #tpu.memory_space<vmem>>
    %dma_start3A_66 = arith.constant 0 : i32
    %dma_start3A_67 = arith.constant 0 : i32
    %dma_start3A_68 = tpu.memref_slice %arg2[%dma_start3A_66, %dma_start3A_67] : memref<10000x128xf32, #tpu.memory_space<hbm>> -> memref<10000x128xf32, #tpu.memory_space<hbm>>
    tpu.enqueue_indirect_dma source(%dma_start3A_68 : memref<10000x128xf32, #tpu.memory_space<hbm>>) target(%dma_start3A_62 : memref<128x128xf32, #tpu.memory_space<vmem>>) offsets(%dma_start3A_65 : memref<128xi32, #tpu.memory_space<vmem>>) semaphore(%arg9 : memref<!tpu.dma_semaphore, #tpu.memory_space<semaphore_mem>>)
    %dma_start3A_69 = arith.constant 9 : i32
    %dma_start3A_70 = arith.constant 1 : i32
    %dma_start3A_71 = arith.constant 2 : i32
    %dma_start3A_72 = arith.constant 0 : i32
    %dma_start3A_73 = arith.constant 0 : i32
    %dma_start3A_74 = tpu.memref_slice %arg7[%dma_start3A_70, %dma_start3A_71, %dma_start3A_72, %dma_start3A_73] : memref<2x3x128x128xf32, #tpu.memory_space<vmem>> -> memref<1x1x128x128xf32, #tpu.memory_space<vmem>>
    %dma_start3A_75 = tpu.memref_squeeze %dma_start3A_74 : memref<1x1x128x128xf32, #tpu.memory_space<vmem>> -> memref<128x128xf32, #tpu.memory_space<vmem>>
    %dma_start3A_76 = arith.constant 0 : i32
    %dma_start3A_77 = tpu.memref_slice %arg6[%dma_start3A_69, %dma_start3A_76] : memref<12x128xi32, #tpu.memory_space<vmem>> -> memref<1x128xi32, #tpu.memory_space<vmem>>
    %dma_start3A_78 = tpu.memref_squeeze %dma_start3A_77 : memref<1x128xi32, #tpu.memory_space<vmem>> -> memref<128xi32, #tpu.memory_space<vmem>>
    %dma_start3A_79 = arith.constant 0 : i32
    %dma_start3A_80 = arith.constant 0 : i32
    %dma_start3A_81 = tpu.memref_slice %arg2[%dma_start3A_79, %dma_start3A_80] : memref<10000x128xf32, #tpu.memory_space<hbm>> -> memref<10000x128xf32, #tpu.memory_space<hbm>>
    tpu.enqueue_indirect_dma source(%dma_start3A_81 : memref<10000x128xf32, #tpu.memory_space<hbm>>) target(%dma_start3A_75 : memref<128x128xf32, #tpu.memory_space<vmem>>) offsets(%dma_start3A_78 : memref<128xi32, #tpu.memory_space<vmem>>) semaphore(%arg9 : memref<!tpu.dma_semaphore, #tpu.memory_space<semaphore_mem>>)
    %dma_wait3A = arith.constant 0 : i32
    %dma_wait3A_82 = arith.constant 0 : i32
    %dma_wait3A_83 = arith.constant 0 : i32
    %dma_wait3A_84 = arith.constant 0 : i32
    %dma_wait3A_85 = arith.constant 0 : i32
    %dma_wait3A_86 = tpu.memref_slice %arg7[%dma_wait3A_82, %dma_wait3A_83, %dma_wait3A_84, %dma_wait3A_85] : memref<2x3x128x128xf32, #tpu.memory_space<vmem>> -> memref<1x1x128x128xf32, #tpu.memory_space<vmem>>
    %dma_wait3A_87 = tpu.memref_squeeze %dma_wait3A_86 : memref<1x1x128x128xf32, #tpu.memory_space<vmem>> -> memref<128x128xf32, #tpu.memory_space<vmem>>
    %dma_wait3A_88 = arith.constant 0 : i32
    %dma_wait3A_89 = tpu.memref_slice %arg6[%dma_wait3A, %dma_wait3A_88] : memref<12x128xi32, #tpu.memory_space<vmem>> -> memref<1x128xi32, #tpu.memory_space<vmem>>
    %dma_wait3A_90 = tpu.memref_squeeze %dma_wait3A_89 : memref<1x128xi32, #tpu.memory_space<vmem>> -> memref<128xi32, #tpu.memory_space<vmem>>
    %dma_wait3A_91 = arith.constant 0 : i32
    %dma_wait3A_92 = arith.constant 0 : i32
    %dma_wait3A_93 = tpu.memref_slice %arg2[%dma_wait3A_91, %dma_wait3A_92] : memref<10000x128xf32, #tpu.memory_space<hbm>> -> memref<10000x128xf32, #tpu.memory_space<hbm>>
    tpu.wait_indirect_dma semaphore(%arg8 : memref<!tpu.dma_semaphore, #tpu.memory_space<semaphore_mem>>) src(%dma_wait3A_93 : memref<10000x128xf32, #tpu.memory_space<hbm>>) dst(%dma_wait3A_87 : memref<128x128xf32, #tpu.memory_space<vmem>>)
    %dma_wait3A_94 = arith.constant 4 : i32
    %dma_wait3A_95 = arith.constant 0 : i32
    %dma_wait3A_96 = arith.constant 1 : i32
    %dma_wait3A_97 = arith.constant 0 : i32
    %dma_wait3A_98 = arith.constant 0 : i32
    %dma_wait3A_99 = tpu.memref_slice %arg7[%dma_wait3A_95, %dma_wait3A_96, %dma_wait3A_97, %dma_wait3A_98] : memref<2x3x128x128xf32, #tpu.memory_space<vmem>> -> memref<1x1x128x128xf32, #tpu.memory_space<vmem>>
    %dma_wait3A_100 = tpu.memref_squeeze %dma_wait3A_99 : memref<1x1x128x128xf32, #tpu.memory_space<vmem>> -> memref<128x128xf32, #tpu.memory_space<vmem>>
    %dma_wait3A_101 = arith.constant 0 : i32
    %dma_wait3A_102 = tpu.memref_slice %arg6[%dma_wait3A_94, %dma_wait3A_101] : memref<12x128xi32, #tpu.memory_space<vmem>> -> memref<1x128xi32, #tpu.memory_space<vmem>>
    %dma_wait3A_103 = tpu.memref_squeeze %dma_wait3A_102 : memref<1x128xi32, #tpu.memory_space<vmem>> -> memref<128xi32, #tpu.memory_space<vmem>>
    %dma_wait3A_104 = arith.constant 0 : i32
    %dma_wait3A_105 = arith.constant 0 : i32
    %dma_wait3A_106 = tpu.memref_slice %arg2[%dma_wait3A_104, %dma_wait3A_105] : memref<10000x128xf32, #tpu.memory_space<hbm>> -> memref<10000x128xf32, #tpu.memory_space<hbm>>
    tpu.wait_indirect_dma semaphore(%arg8 : memref<!tpu.dma_semaphore, #tpu.memory_space<semaphore_mem>>) src(%dma_wait3A_106 : memref<10000x128xf32, #tpu.memory_space<hbm>>) dst(%dma_wait3A_100 : memref<128x128xf32, #tpu.memory_space<vmem>>)
    %dma_wait3A_107 = arith.constant 8 : i32
    %dma_wait3A_108 = arith.constant 0 : i32
    %dma_wait3A_109 = arith.constant 2 : i32
    %dma_wait3A_110 = arith.constant 0 : i32
    %dma_wait3A_111 = arith.constant 0 : i32
    %dma_wait3A_112 = tpu.memref_slice %arg7[%dma_wait3A_108, %dma_wait3A_109, %dma_wait3A_110, %dma_wait3A_111] : memref<2x3x128x128xf32, #tpu.memory_space<vmem>> -> memref<1x1x128x128xf32, #tpu.memory_space<vmem>>
    %dma_wait3A_113 = tpu.memref_squeeze %dma_wait3A_112 : memref<1x1x128x128xf32, #tpu.memory_space<vmem>> -> memref<128x128xf32, #tpu.memory_space<vmem>>
    %dma_wait3A_114 = arith.constant 0 : i32
    %dma_wait3A_115 = tpu.memref_slice %arg6[%dma_wait3A_107, %dma_wait3A_114] : memref<12x128xi32, #tpu.memory_space<vmem>> -> memref<1x128xi32, #tpu.memory_space<vmem>>
    %dma_wait3A_116 = tpu.memref_squeeze %dma_wait3A_115 : memref<1x128xi32, #tpu.memory_space<vmem>> -> memref<128xi32, #tpu.memory_space<vmem>>
    %dma_wait3A_117 = arith.constant 0 : i32
    %dma_wait3A_118 = arith.constant 0 : i32
    %dma_wait3A_119 = tpu.memref_slice %arg2[%dma_wait3A_117, %dma_wait3A_118] : memref<10000x128xf32, #tpu.memory_space<hbm>> -> memref<10000x128xf32, #tpu.memory_space<hbm>>
    tpu.wait_indirect_dma semaphore(%arg8 : memref<!tpu.dma_semaphore, #tpu.memory_space<semaphore_mem>>) src(%dma_wait3A_119 : memref<10000x128xf32, #tpu.memory_space<hbm>>) dst(%dma_wait3A_113 : memref<128x128xf32, #tpu.memory_space<vmem>>)
    %parallel_loop3A_120 = arith.constant 0 : i32
    %parallel_loop3A_121 = arith.constant 128 : i32
    %parallel_loop3A_122 = arith.constant 1 : i32
    scf.for %parallel_loop3A_455 = %parallel_loop3A_120 to %parallel_loop3A_121 step %parallel_loop3A_122  : i32 {
      %parallel_loop3A_456 = arith.constant 0 : i32
      %parallel_loop3A_457 = arith.constant 1 : i32
      %parallel_loop3A_458 = arith.index_cast %parallel_loop3A_456 : i32 to index
      %parallel_loop3A_459 = arith.index_cast %parallel_loop3A_457 : i32 to index
      %parallel_loop3A_460 = arith.index_cast %parallel_loop3A_455 : i32 to index
      %parallel_loop3A_461 = arith.constant 0 : index
      %parallel_loop3A_462 = tpu.vector_load %arg7[%parallel_loop3A_458, %parallel_loop3A_459, %parallel_loop3A_460, %parallel_loop3A_461] {strides = array<i32>} : memref<2x3x128x128xf32, #tpu.memory_space<vmem>>, vector<1x1x1x16xf32>,
      %parallel_loop3A_463 = vector.shape_cast %parallel_loop3A_462 : vector<1x1x1x16xf32> to vector<16xf32>
      %parallel_loop3A_464 = arith.constant 0 : i32
      %parallel_loop3A_465 = arith.constant 2 : i32
      %parallel_loop3A_466 = arith.index_cast %parallel_loop3A_464 : i32 to index
      %parallel_loop3A_467 = arith.index_cast %parallel_loop3A_465 : i32 to index
      %parallel_loop3A_468 = arith.index_cast %parallel_loop3A_455 : i32 to index
      %parallel_loop3A_469 = arith.constant 0 : index
      %parallel_loop3A_470 = tpu.vector_load %arg7[%parallel_loop3A_466, %parallel_loop3A_467, %parallel_loop3A_468, %parallel_loop3A_469] {strides = array<i32>} : memref<2x3x128x128xf32, #tpu.memory_space<vmem>>, vector<1x1x1x16xf32>,
      %parallel_loop3A_471 = vector.shape_cast %parallel_loop3A_470 : vector<1x1x1x16xf32> to vector<16xf32>
      %parallel_loop3A_472 = arith.addf %parallel_loop3A_463, %parallel_loop3A_471 : vector<16xf32>
      %parallel_loop3A_473 = arith.constant 0 : i32
      %parallel_loop3A_474 = arith.constant 0 : i32
      %parallel_loop3A_475 = arith.index_cast %parallel_loop3A_473 : i32 to index
      %parallel_loop3A_476 = arith.index_cast %parallel_loop3A_474 : i32 to index
      %parallel_loop3A_477 = arith.index_cast %parallel_loop3A_455 : i32 to index
      %parallel_loop3A_478 = arith.constant 0 : index
      %parallel_loop3A_479 = tpu.vector_load %arg7[%parallel_loop3A_475, %parallel_loop3A_476, %parallel_loop3A_477, %parallel_loop3A_478] {strides = array<i32>} : memref<2x3x128x128xf32, #tpu.memory_space<vmem>>, vector<1x1x1x16xf32>,
      %parallel_loop3A_480 = vector.shape_cast %parallel_loop3A_479 : vector<1x1x1x16xf32> to vector<16xf32>
      %parallel_loop3A_481 = vector.shape_cast %parallel_loop3A_472 : vector<16xf32> to vector<1x1x1x16xf32>
      tpu.vector_store %arg7[%parallel_loop3A_475, %parallel_loop3A_476, %parallel_loop3A_477, %parallel_loop3A_478], %parallel_loop3A_481 {add = true, strides = array<i32>} : memref<2x3x128x128xf32, #tpu.memory_space<vmem>>, vector<1x1x1x16xf32>,
      %parallel_loop3A_482 = arith.constant 0 : i32
      %parallel_loop3A_483 = arith.constant 1 : i32
      %parallel_loop3A_484 = arith.index_cast %parallel_loop3A_482 : i32 to index
      %parallel_loop3A_485 = arith.index_cast %parallel_loop3A_483 : i32 to index
      %parallel_loop3A_486 = arith.index_cast %parallel_loop3A_455 : i32 to index
      %parallel_loop3A_487 = arith.constant 16 : index
      %parallel_loop3A_488 = tpu.vector_load %arg7[%parallel_loop3A_484, %parallel_loop3A_485, %parallel_loop3A_486, %parallel_loop3A_487] {strides = array<i32>} : memref<2x3x128x128xf32, #tpu.memory_space<vmem>>, vector<1x1x1x16xf32>,
      %parallel_loop3A_489 = vector.shape_cast %parallel_loop3A_488 : vector<1x1x1x16xf32> to vector<16xf32>
      %parallel_loop3A_490 = arith.constant 0 : i32
      %parallel_loop3A_491 = arith.constant 2 : i32
      %parallel_loop3A_492 = arith.index_cast %parallel_loop3A_490 : i32 to index
      %parallel_loop3A_493 = arith.index_cast %parallel_loop3A_491 : i32 to index
      %parallel_loop3A_494 = arith.index_cast %parallel_loop3A_455 : i32 to index
      %parallel_loop3A_495 = arith.constant 16 : index
      %parallel_loop3A_496 = tpu.vector_load %arg7[%parallel_loop3A_492, %parallel_loop3A_493, %parallel_loop3A_494, %parallel_loop3A_495] {strides = array<i32>} : memref<2x3x128x128xf32, #tpu.memory_space<vmem>>, vector<1x1x1x16xf32>,
      %parallel_loop3A_497 = vector.shape_cast %parallel_loop3A_496 : vector<1x1x1x16xf32> to vector<16xf32>
      %parallel_loop3A_498 = arith.addf %parallel_loop3A_489, %parallel_loop3A_497 : vector<16xf32>
      %parallel_loop3A_499 = arith.constant 0 : i32
      %parallel_loop3A_500 = arith.constant 0 : i32
      %parallel_loop3A_501 = arith.index_cast %parallel_loop3A_499 : i32 to index
      %parallel_loop3A_502 = arith.index_cast %parallel_loop3A_500 : i32 to index
      %parallel_loop3A_503 = arith.index_cast %parallel_loop3A_455 : i32 to index
      %parallel_loop3A_504 = arith.constant 16 : index
      %parallel_loop3A_505 = tpu.vector_load %arg7[%parallel_loop3A_501, %parallel_loop3A_502, %parallel_loop3A_503, %parallel_loop3A_504] {strides = array<i32>} : memref<2x3x128x128xf32, #tpu.memory_space<vmem>>, vector<1x1x1x16xf32>,
      %parallel_loop3A_506 = vector.shape_cast %parallel_loop3A_505 : vector<1x1x1x16xf32> to vector<16xf32>
      %parallel_loop3A_507 = vector.shape_cast %parallel_loop3A_498 : vector<16xf32> to vector<1x1x1x16xf32>
      tpu.vector_store %arg7[%parallel_loop3A_501, %parallel_loop3A_502, %parallel_loop3A_503, %parallel_loop3A_504], %parallel_loop3A_507 {add = true, strides = array<i32>} : memref<2x3x128x128xf32, #tpu.memory_space<vmem>>, vector<1x1x1x16xf32>,
      %parallel_loop3A_508 = arith.constant 0 : i32
      %parallel_loop3A_509 = arith.constant 1 : i32
      %parallel_loop3A_510 = arith.index_cast %parallel_loop3A_508 : i32 to index
      %parallel_loop3A_511 = arith.index_cast %parallel_loop3A_509 : i32 to index
      %parallel_loop3A_512 = arith.index_cast %parallel_loop3A_455 : i32 to index
      %parallel_loop3A_513 = arith.constant 32 : index
      %parallel_loop3A_514 = tpu.vector_load %arg7[%parallel_loop3A_510, %parallel_loop3A_511, %parallel_loop3A_512, %parallel_loop3A_513] {strides = array<i32>} : memref<2x3x128x128xf32, #tpu.memory_space<vmem>>, vector<1x1x1x16xf32>,
      %parallel_loop3A_515 = vector.shape_cast %parallel_loop3A_514 : vector<1x1x1x16xf32> to vector<16xf32>
      %parallel_loop3A_516 = arith.constant 0 : i32
      %parallel_loop3A_517 = arith.constant 2 : i32
      %parallel_loop3A_518 = arith.index_cast %parallel_loop3A_516 : i32 to index
      %parallel_loop3A_519 = arith.index_cast %parallel_loop3A_517 : i32 to index
      %parallel_loop3A_520 = arith.index_cast %parallel_loop3A_455 : i32 to index
      %parallel_loop3A_521 = arith.constant 32 : index
      %parallel_loop3A_522 = tpu.vector_load %arg7[%parallel_loop3A_518, %parallel_loop3A_519, %parallel_loop3A_520, %parallel_loop3A_521] {strides = array<i32>} : memref<2x3x128x128xf32, #tpu.memory_space<vmem>>, vector<1x1x1x16xf32>,
      %parallel_loop3A_523 = vector.shape_cast %parallel_loop3A_522 : vector<1x1x1x16xf32> to vector<16xf32>
      %parallel_loop3A_524 = arith.addf %parallel_loop3A_515, %parallel_loop3A_523 : vector<16xf32>
      %parallel_loop3A_525 = arith.constant 0 : i32
      %parallel_loop3A_526 = arith.constant 0 : i32
      %parallel_loop3A_527 = arith.index_cast %parallel_loop3A_525 : i32 to index
      %parallel_loop3A_528 = arith.index_cast %parallel_loop3A_526 : i32 to index
      %parallel_loop3A_529 = arith.index_cast %parallel_loop3A_455 : i32 to index
      %parallel_loop3A_530 = arith.constant 32 : index
      %parallel_loop3A_531 = tpu.vector_load %arg7[%parallel_loop3A_527, %parallel_loop3A_528, %parallel_loop3A_529, %parallel_loop3A_530] {strides = array<i32>} : memref<2x3x128x128xf32, #tpu.memory_space<vmem>>, vector<1x1x1x16xf32>,
      %parallel_loop3A_532 = vector.shape_cast %parallel_loop3A_531 : vector<1x1x1x16xf32> to vector<16xf32>
      %parallel_loop3A_533 = vector.shape_cast %parallel_loop3A_524 : vector<16xf32> to vector<1x1x1x16xf32>
      tpu.vector_store %arg7[%parallel_loop3A_527, %parallel_loop3A_528, %parallel_loop3A_529, %parallel_loop3A_530], %parallel_loop3A_533 {add = true, strides = array<i32>} : memref<2x3x128x128xf32, #tpu.memory_space<vmem>>, vector<1x1x1x16xf32>,
      %parallel_loop3A_534 = arith.constant 0 : i32
      %parallel_loop3A_535 = arith.constant 1 : i32
      %parallel_loop3A_536 = arith.index_cast %parallel_loop3A_534 : i32 to index
      %parallel_loop3A_537 = arith.index_cast %parallel_loop3A_535 : i32 to index
      %parallel_loop3A_538 = arith.index_cast %parallel_loop3A_455 : i32 to index
      %parallel_loop3A_539 = arith.constant 48 : index
      %parallel_loop3A_540 = tpu.vector_load %arg7[%parallel_loop3A_536, %parallel_loop3A_537, %parallel_loop3A_538, %parallel_loop3A_539] {strides = array<i32>} : memref<2x3x128x128xf32, #tpu.memory_space<vmem>>, vector<1x1x1x16xf32>,
      %parallel_loop3A_541 = vector.shape_cast %parallel_loop3A_540 : vector<1x1x1x16xf32> to vector<16xf32>
      %parallel_loop3A_542 = arith.constant 0 : i32
      %parallel_loop3A_543 = arith.constant 2 : i32
      %parallel_loop3A_544 = arith.index_cast %parallel_loop3A_542 : i32 to index
      %parallel_loop3A_545 = arith.index_cast %parallel_loop3A_543 : i32 to index
      %parallel_loop3A_546 = arith.index_cast %parallel_loop3A_455 : i32 to index
      %parallel_loop3A_547 = arith.constant 48 : index
      %parallel_loop3A_548 = tpu.vector_load %arg7[%parallel_loop3A_544, %parallel_loop3A_545, %parallel_loop3A_546, %parallel_loop3A_547] {strides = array<i32>} : memref<2x3x128x128xf32, #tpu.memory_space<vmem>>, vector<1x1x1x16xf32>,
      %parallel_loop3A_549 = vector.shape_cast %parallel_loop3A_548 : vector<1x1x1x16xf32> to vector<16xf32>
      %parallel_loop3A_550 = arith.addf %parallel_loop3A_541, %parallel_loop3A_549 : vector<16xf32>
      %parallel_loop3A_551 = arith.constant 0 : i32
      %parallel_loop3A_552 = arith.constant 0 : i32
      %parallel_loop3A_553 = arith.index_cast %parallel_loop3A_551 : i32 to index
      %parallel_loop3A_554 = arith.index_cast %parallel_loop3A_552 : i32 to index
      %parallel_loop3A_555 = arith.index_cast %parallel_loop3A_455 : i32 to index
      %parallel_loop3A_556 = arith.constant 48 : index
      %parallel_loop3A_557 = tpu.vector_load %arg7[%parallel_loop3A_553, %parallel_loop3A_554, %parallel_loop3A_555, %parallel_loop3A_556] {strides = array<i32>} : memref<2x3x128x128xf32, #tpu.memory_space<vmem>>, vector<1x1x1x16xf32>,
      %parallel_loop3A_558 = vector.shape_cast %parallel_loop3A_557 : vector<1x1x1x16xf32> to vector<16xf32>
      %parallel_loop3A_559 = vector.shape_cast %parallel_loop3A_550 : vector<16xf32> to vector<1x1x1x16xf32>
      tpu.vector_store %arg7[%parallel_loop3A_553, %parallel_loop3A_554, %parallel_loop3A_555, %parallel_loop3A_556], %parallel_loop3A_559 {add = true, strides = array<i32>} : memref<2x3x128x128xf32, #tpu.memory_space<vmem>>, vector<1x1x1x16xf32>,
      %parallel_loop3A_560 = arith.constant 0 : i32
      %parallel_loop3A_561 = arith.constant 1 : i32
      %parallel_loop3A_562 = arith.index_cast %parallel_loop3A_560 : i32 to index
      %parallel_loop3A_563 = arith.index_cast %parallel_loop3A_561 : i32 to index
      %parallel_loop3A_564 = arith.index_cast %parallel_loop3A_455 : i32 to index
      %parallel_loop3A_565 = arith.constant 64 : index
      %parallel_loop3A_566 = tpu.vector_load %arg7[%parallel_loop3A_562, %parallel_loop3A_563, %parallel_loop3A_564, %parallel_loop3A_565] {strides = array<i32>} : memref<2x3x128x128xf32, #tpu.memory_space<vmem>>, vector<1x1x1x16xf32>,
      %parallel_loop3A_567 = vector.shape_cast %parallel_loop3A_566 : vector<1x1x1x16xf32> to vector<16xf32>
      %parallel_loop3A_568 = arith.constant 0 : i32
      %parallel_loop3A_569 = arith.constant 2 : i32
      %parallel_loop3A_570 = arith.index_cast %parallel_loop3A_568 : i32 to index
      %parallel_loop3A_571 = arith.index_cast %parallel_loop3A_569 : i32 to index
      %parallel_loop3A_572 = arith.index_cast %parallel_loop3A_455 : i32 to index
      %parallel_loop3A_573 = arith.constant 64 : index
      %parallel_loop3A_574 = tpu.vector_load %arg7[%parallel_loop3A_570, %parallel_loop3A_571, %parallel_loop3A_572, %parallel_loop3A_573] {strides = array<i32>} : memref<2x3x128x128xf32, #tpu.memory_space<vmem>>, vector<1x1x1x16xf32>,
      %parallel_loop3A_575 = vector.shape_cast %parallel_loop3A_574 : vector<1x1x1x16xf32> to vector<16xf32>
      %parallel_loop3A_576 = arith.addf %parallel_loop3A_567, %parallel_loop3A_575 : vector<16xf32>
      %parallel_loop3A_577 = arith.constant 0 : i32
      %parallel_loop3A_578 = arith.constant 0 : i32
      %parallel_loop3A_579 = arith.index_cast %parallel_loop3A_577 : i32 to index
      %parallel_loop3A_580 = arith.index_cast %parallel_loop3A_578 : i32 to index
      %parallel_loop3A_581 = arith.index_cast %parallel_loop3A_455 : i32 to index
      %parallel_loop3A_582 = arith.constant 64 : index
      %parallel_loop3A_583 = tpu.vector_load %arg7[%parallel_loop3A_579, %parallel_loop3A_580, %parallel_loop3A_581, %parallel_loop3A_582] {strides = array<i32>} : memref<2x3x128x128xf32, #tpu.memory_space<vmem>>, vector<1x1x1x16xf32>,
      %parallel_loop3A_584 = vector.shape_cast %parallel_loop3A_583 : vector<1x1x1x16xf32> to vector<16xf32>
      %parallel_loop3A_585 = vector.shape_cast %parallel_loop3A_576 : vector<16xf32> to vector<1x1x1x16xf32>
      tpu.vector_store %arg7[%parallel_loop3A_579, %parallel_loop3A_580, %parallel_loop3A_581, %parallel_loop3A_582], %parallel_loop3A_585 {add = true, strides = array<i32>} : memref<2x3x128x128xf32, #tpu.memory_space<vmem>>, vector<1x1x1x16xf32>,
      %parallel_loop3A_586 = arith.constant 0 : i32
      %parallel_loop3A_587 = arith.constant 1 : i32
      %parallel_loop3A_588 = arith.index_cast %parallel_loop3A_586 : i32 to index
      %parallel_loop3A_589 = arith.index_cast %parallel_loop3A_587 : i32 to index
      %parallel_loop3A_590 = arith.index_cast %parallel_loop3A_455 : i32 to index
      %parallel_loop3A_591 = arith.constant 80 : index
      %parallel_loop3A_592 = tpu.vector_load %arg7[%parallel_loop3A_588, %parallel_loop3A_589, %parallel_loop3A_590, %parallel_loop3A_591] {strides = array<i32>} : memref<2x3x128x128xf32, #tpu.memory_space<vmem>>, vector<1x1x1x16xf32>,
      %parallel_loop3A_593 = vector.shape_cast %parallel_loop3A_592 : vector<1x1x1x16xf32> to vector<16xf32>
      %parallel_loop3A_594 = arith.constant 0 : i32
      %parallel_loop3A_595 = arith.constant 2 : i32
      %parallel_loop3A_596 = arith.index_cast %parallel_loop3A_594 : i32 to index
      %parallel_loop3A_597 = arith.index_cast %parallel_loop3A_595 : i32 to index
      %parallel_loop3A_598 = arith.index_cast %parallel_loop3A_455 : i32 to index
      %parallel_loop3A_599 = arith.constant 80 : index
      %parallel_loop3A_600 = tpu.vector_load %arg7[%parallel_loop3A_596, %parallel_loop3A_597, %parallel_loop3A_598, %parallel_loop3A_599] {strides = array<i32>} : memref<2x3x128x128xf32, #tpu.memory_space<vmem>>, vector<1x1x1x16xf32>,
      %parallel_loop3A_601 = vector.shape_cast %parallel_loop3A_600 : vector<1x1x1x16xf32> to vector<16xf32>
      %parallel_loop3A_602 = arith.addf %parallel_loop3A_593, %parallel_loop3A_601 : vector<16xf32>
      %parallel_loop3A_603 = arith.constant 0 : i32
      %parallel_loop3A_604 = arith.constant 0 : i32
      %parallel_loop3A_605 = arith.index_cast %parallel_loop3A_603 : i32 to index
      %parallel_loop3A_606 = arith.index_cast %parallel_loop3A_604 : i32 to index
      %parallel_loop3A_607 = arith.index_cast %parallel_loop3A_455 : i32 to index
      %parallel_loop3A_608 = arith.constant 80 : index
      %parallel_loop3A_609 = tpu.vector_load %arg7[%parallel_loop3A_605, %parallel_loop3A_606, %parallel_loop3A_607, %parallel_loop3A_608] {strides = array<i32>} : memref<2x3x128x128xf32, #tpu.memory_space<vmem>>, vector<1x1x1x16xf32>,
      %parallel_loop3A_610 = vector.shape_cast %parallel_loop3A_609 : vector<1x1x1x16xf32> to vector<16xf32>
      %parallel_loop3A_611 = vector.shape_cast %parallel_loop3A_602 : vector<16xf32> to vector<1x1x1x16xf32>
      tpu.vector_store %arg7[%parallel_loop3A_605, %parallel_loop3A_606, %parallel_loop3A_607, %parallel_loop3A_608], %parallel_loop3A_611 {add = true, strides = array<i32>} : memref<2x3x128x128xf32, #tpu.memory_space<vmem>>, vector<1x1x1x16xf32>,
      %parallel_loop3A_612 = arith.constant 0 : i32
      %parallel_loop3A_613 = arith.constant 1 : i32
      %parallel_loop3A_614 = arith.index_cast %parallel_loop3A_612 : i32 to index
      %parallel_loop3A_615 = arith.index_cast %parallel_loop3A_613 : i32 to index
      %parallel_loop3A_616 = arith.index_cast %parallel_loop3A_455 : i32 to index
      %parallel_loop3A_617 = arith.constant 96 : index
      %parallel_loop3A_618 = tpu.vector_load %arg7[%parallel_loop3A_614, %parallel_loop3A_615, %parallel_loop3A_616, %parallel_loop3A_617] {strides = array<i32>} : memref<2x3x128x128xf32, #tpu.memory_space<vmem>>, vector<1x1x1x16xf32>,
      %parallel_loop3A_619 = vector.shape_cast %parallel_loop3A_618 : vector<1x1x1x16xf32> to vector<16xf32>
      %parallel_loop3A_620 = arith.constant 0 : i32
      %parallel_loop3A_621 = arith.constant 2 : i32
      %parallel_loop3A_622 = arith.index_cast %parallel_loop3A_620 : i32 to index
      %parallel_loop3A_623 = arith.index_cast %parallel_loop3A_621 : i32 to index
      %parallel_loop3A_624 = arith.index_cast %parallel_loop3A_455 : i32 to index
      %parallel_loop3A_625 = arith.constant 96 : index
      %parallel_loop3A_626 = tpu.vector_load %arg7[%parallel_loop3A_622, %parallel_loop3A_623, %parallel_loop3A_624, %parallel_loop3A_625] {strides = array<i32>} : memref<2x3x128x128xf32, #tpu.memory_space<vmem>>, vector<1x1x1x16xf32>,
      %parallel_loop3A_627 = vector.shape_cast %parallel_loop3A_626 : vector<1x1x1x16xf32> to vector<16xf32>
      %parallel_loop3A_628 = arith.addf %parallel_loop3A_619, %parallel_loop3A_627 : vector<16xf32>
      %parallel_loop3A_629 = arith.constant 0 : i32
      %parallel_loop3A_630 = arith.constant 0 : i32
      %parallel_loop3A_631 = arith.index_cast %parallel_loop3A_629 : i32 to index
      %parallel_loop3A_632 = arith.index_cast %parallel_loop3A_630 : i32 to index
      %parallel_loop3A_633 = arith.index_cast %parallel_loop3A_455 : i32 to index
      %parallel_loop3A_634 = arith.constant 96 : index
      %parallel_loop3A_635 = tpu.vector_load %arg7[%parallel_loop3A_631, %parallel_loop3A_632, %parallel_loop3A_633, %parallel_loop3A_634] {strides = array<i32>} : memref<2x3x128x128xf32, #tpu.memory_space<vmem>>, vector<1x1x1x16xf32>,
      %parallel_loop3A_636 = vector.shape_cast %parallel_loop3A_635 : vector<1x1x1x16xf32> to vector<16xf32>
      %parallel_loop3A_637 = vector.shape_cast %parallel_loop3A_628 : vector<16xf32> to vector<1x1x1x16xf32>
      tpu.vector_store %arg7[%parallel_loop3A_631, %parallel_loop3A_632, %parallel_loop3A_633, %parallel_loop3A_634], %parallel_loop3A_637 {add = true, strides = array<i32>} : memref<2x3x128x128xf32, #tpu.memory_space<vmem>>, vector<1x1x1x16xf32>,
      %parallel_loop3A_638 = arith.constant 0 : i32
      %parallel_loop3A_639 = arith.constant 1 : i32
      %parallel_loop3A_640 = arith.index_cast %parallel_loop3A_638 : i32 to index
      %parallel_loop3A_641 = arith.index_cast %parallel_loop3A_639 : i32 to index
      %parallel_loop3A_642 = arith.index_cast %parallel_loop3A_455 : i32 to index
      %parallel_loop3A_643 = arith.constant 112 : index
      %parallel_loop3A_644 = tpu.vector_load %arg7[%parallel_loop3A_640, %parallel_loop3A_641, %parallel_loop3A_642, %parallel_loop3A_643] {strides = array<i32>} : memref<2x3x128x128xf32, #tpu.memory_space<vmem>>, vector<1x1x1x16xf32>,
      %parallel_loop3A_645 = vector.shape_cast %parallel_loop3A_644 : vector<1x1x1x16xf32> to vector<16xf32>
      %parallel_loop3A_646 = arith.constant 0 : i32
      %parallel_loop3A_647 = arith.constant 2 : i32
      %parallel_loop3A_648 = arith.index_cast %parallel_loop3A_646 : i32 to index
      %parallel_loop3A_649 = arith.index_cast %parallel_loop3A_647 : i32 to index
      %parallel_loop3A_650 = arith.index_cast %parallel_loop3A_455 : i32 to index
      %parallel_loop3A_651 = arith.constant 112 : index
      %parallel_loop3A_652 = tpu.vector_load %arg7[%parallel_loop3A_648, %parallel_loop3A_649, %parallel_loop3A_650, %parallel_loop3A_651] {strides = array<i32>} : memref<2x3x128x128xf32, #tpu.memory_space<vmem>>, vector<1x1x1x16xf32>,
      %parallel_loop3A_653 = vector.shape_cast %parallel_loop3A_652 : vector<1x1x1x16xf32> to vector<16xf32>
      %parallel_loop3A_654 = arith.addf %parallel_loop3A_645, %parallel_loop3A_653 : vector<16xf32>
      %parallel_loop3A_655 = arith.constant 0 : i32
      %parallel_loop3A_656 = arith.constant 0 : i32
      %parallel_loop3A_657 = arith.index_cast %parallel_loop3A_655 : i32 to index
      %parallel_loop3A_658 = arith.index_cast %parallel_loop3A_656 : i32 to index
      %parallel_loop3A_659 = arith.index_cast %parallel_loop3A_455 : i32 to index
      %parallel_loop3A_660 = arith.constant 112 : index
      %parallel_loop3A_661 = tpu.vector_load %arg7[%parallel_loop3A_657, %parallel_loop3A_658, %parallel_loop3A_659, %parallel_loop3A_660] {strides = array<i32>} : memref<2x3x128x128xf32, #tpu.memory_space<vmem>>, vector<1x1x1x16xf32>,
      %parallel_loop3A_662 = vector.shape_cast %parallel_loop3A_661 : vector<1x1x1x16xf32> to vector<16xf32>
      %parallel_loop3A_663 = vector.shape_cast %parallel_loop3A_654 : vector<16xf32> to vector<1x1x1x16xf32>
      tpu.vector_store %arg7[%parallel_loop3A_657, %parallel_loop3A_658, %parallel_loop3A_659, %parallel_loop3A_660], %parallel_loop3A_663 {add = true, strides = array<i32>} : memref<2x3x128x128xf32, #tpu.memory_space<vmem>>, vector<1x1x1x16xf32>,
    } {sc.loop_unroll_factor = 1 : i64, sc.parallel_access}
    %mul3A_123 = arith.constant 512 : i32
    %mul3A_124 = arith.muli %add3A, %mul3A_123 : i32
    %add3A_125 = arith.constant 0 : i32
    %add3A_126 = arith.addi %mul3A_124, %add3A_125 : i32
    %dma_start3A_127 = arith.constant 0 : i32
    %dma_start3A_128 = arith.constant 0 : i32
    %dma_start3A_129 = arith.constant 0 : i32
    %dma_start3A_130 = arith.constant 0 : i32
    %dma_start3A_131 = tpu.memref_slice %arg7[%dma_start3A_127, %dma_start3A_128, %dma_start3A_129, %dma_start3A_130] : memref<2x3x128x128xf32, #tpu.memory_space<vmem>> -> memref<1x1x128x128xf32, #tpu.memory_space<vmem>>
    %dma_start3A_132 = tpu.memref_squeeze %dma_start3A_131 : memref<1x1x128x128xf32, #tpu.memory_space<vmem>> -> memref<128x128xf32, #tpu.memory_space<vmem>>
    %dma_start3A_133 = arith.constant 0 : i32
    %dma_start3A_134 = tpu.memref_slice %arg4[%add3A_126, %dma_start3A_133] : memref<16384x128xf32, #tpu.memory_space<hbm>> -> memref<128x128xf32, #tpu.memory_space<hbm>>
    %dma_start3A_135 = arith.constant 0 : i32
    %dma_start3A_136 = tpu.memref_slice %arg4[%add3A_126, %dma_start3A_135] : memref<16384x128xf32, #tpu.memory_space<hbm>> -> memref<128x128xf32, #tpu.memory_space<hbm>>
    %dma_start3A_137 = arith.constant 0 : i32
    %dma_start3A_138 = arith.constant 0 : i32
    %dma_start3A_139 = tpu.memref_slice %arg7[%dma_start3A_127, %dma_start3A_128, %dma_start3A_137, %dma_start3A_138] : memref<2x3x128x128xf32, #tpu.memory_space<vmem>> -> memref<1x1x128x128xf32, #tpu.memory_space<vmem>>
    %dma_start3A_140 = tpu.memref_squeeze %dma_start3A_139 : memref<1x1x128x128xf32, #tpu.memory_space<vmem>> -> memref<128x128xf32, #tpu.memory_space<vmem>>
    tpu.enqueue_dma source(%dma_start3A_140 : memref<128x128xf32, #tpu.memory_space<vmem>>) target(%dma_start3A_136 : memref<128x128xf32, #tpu.memory_space<hbm>>) target_semaphore(%arg10 : memref<!tpu.dma_semaphore, #tpu.memory_space<semaphore_mem>>)
    %dma_wait3A_141 = arith.constant 0 : i32
    %dma_wait3A_142 = arith.constant 0 : i32
    %dma_wait3A_143 = arith.constant 0 : i32
    %dma_wait3A_144 = arith.constant 0 : i32
    %dma_wait3A_145 = tpu.memref_slice %arg7[%dma_wait3A_141, %dma_wait3A_142, %dma_wait3A_143, %dma_wait3A_144] : memref<2x3x128x128xf32, #tpu.memory_space<vmem>> -> memref<1x1x128x128xf32, #tpu.memory_space<vmem>>
    %dma_wait3A_146 = tpu.memref_squeeze %dma_wait3A_145 : memref<1x1x128x128xf32, #tpu.memory_space<vmem>> -> memref<128x128xf32, #tpu.memory_space<vmem>>
    %dma_wait3A_147 = arith.constant 0 : i32
    %dma_wait3A_148 = tpu.memref_slice %arg4[%add3A_126, %dma_wait3A_147] : memref<16384x128xf32, #tpu.memory_space<hbm>> -> memref<128x128xf32, #tpu.memory_space<hbm>>
    %dma_wait3A_149 = arith.constant 0 : i32
    %dma_wait3A_150 = tpu.memref_slice %arg4[%add3A_126, %dma_wait3A_149] : memref<16384x128xf32, #tpu.memory_space<hbm>> -> memref<128x128xf32, #tpu.memory_space<hbm>>
    %dma_wait3A_151 = arith.constant 0 : i32
    %dma_wait3A_152 = arith.constant 0 : i32
    %dma_wait3A_153 = tpu.memref_slice %arg7[%dma_wait3A_141, %dma_wait3A_142, %dma_wait3A_151, %dma_wait3A_152] : memref<2x3x128x128xf32, #tpu.memory_space<vmem>> -> memref<1x1x128x128xf32, #tpu.memory_space<vmem>>
    %dma_wait3A_154 = tpu.memref_squeeze %dma_wait3A_153 : memref<1x1x128x128xf32, #tpu.memory_space<vmem>> -> memref<128x128xf32, #tpu.memory_space<vmem>>
    tpu.wait_dma2 semaphore(%arg10 : memref<!tpu.dma_semaphore, #tpu.memory_space<semaphore_mem>>) src(%dma_wait3A_154 : memref<128x128xf32, #tpu.memory_space<vmem>>) dst(%dma_wait3A_150 : memref<128x128xf32, #tpu.memory_space<hbm>>)
    %dma_start3A_155 = arith.constant 2 : i32
    %dma_start3A_156 = arith.constant 0 : i32
    %dma_start3A_157 = arith.constant 0 : i32
    %dma_start3A_158 = arith.constant 0 : i32
    %dma_start3A_159 = arith.constant 0 : i32
    %dma_start3A_160 = tpu.memref_slice %arg7[%dma_start3A_156, %dma_start3A_157, %dma_start3A_158, %dma_start3A_159] : memref<2x3x128x128xf32, #tpu.memory_space<vmem>> -> memref<1x1x128x128xf32, #tpu.memory_space<vmem>>
    %dma_start3A_161 = tpu.memref_squeeze %dma_start3A_160 : memref<1x1x128x128xf32, #tpu.memory_space<vmem>> -> memref<128x128xf32, #tpu.memory_space<vmem>>
    %dma_start3A_162 = arith.constant 0 : i32
    %dma_start3A_163 = tpu.memref_slice %arg6[%dma_start3A_155, %dma_start3A_162] : memref<12x128xi32, #tpu.memory_space<vmem>> -> memref<1x128xi32, #tpu.memory_space<vmem>>
    %dma_start3A_164 = tpu.memref_squeeze %dma_start3A_163 : memref<1x128xi32, #tpu.memory_space<vmem>> -> memref<128xi32, #tpu.memory_space<vmem>>
    %dma_start3A_165 = arith.constant 0 : i32
    %dma_start3A_166 = arith.constant 0 : i32
    %dma_start3A_167 = tpu.memref_slice %arg2[%dma_start3A_165, %dma_start3A_166] : memref<10000x128xf32, #tpu.memory_space<hbm>> -> memref<10000x128xf32, #tpu.memory_space<hbm>>
    tpu.enqueue_indirect_dma source(%dma_start3A_167 : memref<10000x128xf32, #tpu.memory_space<hbm>>) target(%dma_start3A_161 : memref<128x128xf32, #tpu.memory_space<vmem>>) offsets(%dma_start3A_164 : memref<128xi32, #tpu.memory_space<vmem>>) semaphore(%arg8 : memref<!tpu.dma_semaphore, #tpu.memory_space<semaphore_mem>>)
    %dma_start3A_168 = arith.constant 6 : i32
    %dma_start3A_169 = arith.constant 0 : i32
    %dma_start3A_170 = arith.constant 1 : i32
    %dma_start3A_171 = arith.constant 0 : i32
    %dma_start3A_172 = arith.constant 0 : i32
    %dma_start3A_173 = tpu.memref_slice %arg7[%dma_start3A_169, %dma_start3A_170, %dma_start3A_171, %dma_start3A_172] : memref<2x3x128x128xf32, #tpu.memory_space<vmem>> -> memref<1x1x128x128xf32, #tpu.memory_space<vmem>>
    %dma_start3A_174 = tpu.memref_squeeze %dma_start3A_173 : memref<1x1x128x128xf32, #tpu.memory_space<vmem>> -> memref<128x128xf32, #tpu.memory_space<vmem>>
    %dma_start3A_175 = arith.constant 0 : i32
    %dma_start3A_176 = tpu.memref_slice %arg6[%dma_start3A_168, %dma_start3A_175] : memref<12x128xi32, #tpu.memory_space<vmem>> -> memref<1x128xi32, #tpu.memory_space<vmem>>
    %dma_start3A_177 = tpu.memref_squeeze %dma_start3A_176 : memref<1x128xi32, #tpu.memory_space<vmem>> -> memref<128xi32, #tpu.memory_space<vmem>>
    %dma_start3A_178 = arith.constant 0 : i32
    %dma_start3A_179 = arith.constant 0 : i32
    %dma_start3A_180 = tpu.memref_slice %arg2[%dma_start3A_178, %dma_start3A_179] : memref<10000x128xf32, #tpu.memory_space<hbm>> -> memref<10000x128xf32, #tpu.memory_space<hbm>>
    tpu.enqueue_indirect_dma source(%dma_start3A_180 : memref<10000x128xf32, #tpu.memory_space<hbm>>) target(%dma_start3A_174 : memref<128x128xf32, #tpu.memory_space<vmem>>) offsets(%dma_start3A_177 : memref<128xi32, #tpu.memory_space<vmem>>) semaphore(%arg8 : memref<!tpu.dma_semaphore, #tpu.memory_space<semaphore_mem>>)
    %dma_start3A_181 = arith.constant 10 : i32
    %dma_start3A_182 = arith.constant 0 : i32
    %dma_start3A_183 = arith.constant 2 : i32
    %dma_start3A_184 = arith.constant 0 : i32
    %dma_start3A_185 = arith.constant 0 : i32
    %dma_start3A_186 = tpu.memref_slice %arg7[%dma_start3A_182, %dma_start3A_183, %dma_start3A_184, %dma_start3A_185] : memref<2x3x128x128xf32, #tpu.memory_space<vmem>> -> memref<1x1x128x128xf32, #tpu.memory_space<vmem>>
    %dma_start3A_187 = tpu.memref_squeeze %dma_start3A_186 : memref<1x1x128x128xf32, #tpu.memory_space<vmem>> -> memref<128x128xf32, #tpu.memory_space<vmem>>
    %dma_start3A_188 = arith.constant 0 : i32
    %dma_start3A_189 = tpu.memref_slice %arg6[%dma_start3A_181, %dma_start3A_188] : memref<12x128xi32, #tpu.memory_space<vmem>> -> memref<1x128xi32, #tpu.memory_space<vmem>>
    %dma_start3A_190 = tpu.memref_squeeze %dma_start3A_189 : memref<1x128xi32, #tpu.memory_space<vmem>> -> memref<128xi32, #tpu.memory_space<vmem>>
    %dma_start3A_191 = arith.constant 0 : i32
    %dma_start3A_192 = arith.constant 0 : i32
    %dma_start3A_193 = tpu.memref_slice %arg2[%dma_start3A_191, %dma_start3A_192] : memref<10000x128xf32, #tpu.memory_space<hbm>> -> memref<10000x128xf32, #tpu.memory_space<hbm>>
    tpu.enqueue_indirect_dma source(%dma_start3A_193 : memref<10000x128xf32, #tpu.memory_space<hbm>>) target(%dma_start3A_187 : memref<128x128xf32, #tpu.memory_space<vmem>>) offsets(%dma_start3A_190 : memref<128xi32, #tpu.memory_space<vmem>>) semaphore(%arg8 : memref<!tpu.dma_semaphore, #tpu.memory_space<semaphore_mem>>)
    %dma_wait3A_194 = arith.constant 1 : i32
    %dma_wait3A_195 = arith.constant 1 : i32
    %dma_wait3A_196 = arith.constant 0 : i32
    %dma_wait3A_197 = arith.constant 0 : i32
    %dma_wait3A_198 = arith.constant 0 : i32
    %dma_wait3A_199 = tpu.memref_slice %arg7[%dma_wait3A_195, %dma_wait3A_196, %dma_wait3A_197, %dma_wait3A_198] : memref<2x3x128x128xf32, #tpu.memory_space<vmem>> -> memref<1x1x128x128xf32, #tpu.memory_space<vmem>>
    %dma_wait3A_200 = tpu.memref_squeeze %dma_wait3A_199 : memref<1x1x128x128xf32, #tpu.memory_space<vmem>> -> memref<128x128xf32, #tpu.memory_space<vmem>>
    %dma_wait3A_201 = arith.constant 0 : i32
    %dma_wait3A_202 = tpu.memref_slice %arg6[%dma_wait3A_194, %dma_wait3A_201] : memref<12x128xi32, #tpu.memory_space<vmem>> -> memref<1x128xi32, #tpu.memory_space<vmem>>
    %dma_wait3A_203 = tpu.memref_squeeze %dma_wait3A_202 : memref<1x128xi32, #tpu.memory_space<vmem>> -> memref<128xi32, #tpu.memory_space<vmem>>
    %dma_wait3A_204 = arith.constant 0 : i32
    %dma_wait3A_205 = arith.constant 0 : i32
    %dma_wait3A_206 = tpu.memref_slice %arg2[%dma_wait3A_204, %dma_wait3A_205] : memref<10000x128xf32, #tpu.memory_space<hbm>> -> memref<10000x128xf32, #tpu.memory_space<hbm>>
    tpu.wait_indirect_dma semaphore(%arg9 : memref<!tpu.dma_semaphore, #tpu.memory_space<semaphore_mem>>) src(%dma_wait3A_206 : memref<10000x128xf32, #tpu.memory_space<hbm>>) dst(%dma_wait3A_200 : memref<128x128xf32, #tpu.memory_space<vmem>>)
    %dma_wait3A_207 = arith.constant 5 : i32
    %dma_wait3A_208 = arith.constant 1 : i32
    %dma_wait3A_209 = arith.constant 1 : i32
    %dma_wait3A_210 = arith.constant 0 : i32
    %dma_wait3A_211 = arith.constant 0 : i32
    %dma_wait3A_212 = tpu.memref_slice %arg7[%dma_wait3A_208, %dma_wait3A_209, %dma_wait3A_210, %dma_wait3A_211] : memref<2x3x128x128xf32, #tpu.memory_space<vmem>> -> memref<1x1x128x128xf32, #tpu.memory_space<vmem>>
    %dma_wait3A_213 = tpu.memref_squeeze %dma_wait3A_212 : memref<1x1x128x128xf32, #tpu.memory_space<vmem>> -> memref<128x128xf32, #tpu.memory_space<vmem>>
    %dma_wait3A_214 = arith.constant 0 : i32
    %dma_wait3A_215 = tpu.memref_slice %arg6[%dma_wait3A_207, %dma_wait3A_214] : memref<12x128xi32, #tpu.memory_space<vmem>> -> memref<1x128xi32, #tpu.memory_space<vmem>>
    %dma_wait3A_216 = tpu.memref_squeeze %dma_wait3A_215 : memref<1x128xi32, #tpu.memory_space<vmem>> -> memref<128xi32, #tpu.memory_space<vmem>>
    %dma_wait3A_217 = arith.constant 0 : i32
    %dma_wait3A_218 = arith.constant 0 : i32
    %dma_wait3A_219 = tpu.memref_slice %arg2[%dma_wait3A_217, %dma_wait3A_218] : memref<10000x128xf32, #tpu.memory_space<hbm>> -> memref<10000x128xf32, #tpu.memory_space<hbm>>
    tpu.wait_indirect_dma semaphore(%arg9 : memref<!tpu.dma_semaphore, #tpu.memory_space<semaphore_mem>>) src(%dma_wait3A_219 : memref<10000x128xf32, #tpu.memory_space<hbm>>) dst(%dma_wait3A_213 : memref<128x128xf32, #tpu.memory_space<vmem>>)
    %dma_wait3A_220 = arith.constant 9 : i32
    %dma_wait3A_221 = arith.constant 1 : i32
    %dma_wait3A_222 = arith.constant 2 : i32
    %dma_wait3A_223 = arith.constant 0 : i32
    %dma_wait3A_224 = arith.constant 0 : i32
    %dma_wait3A_225 = tpu.memref_slice %arg7[%dma_wait3A_221, %dma_wait3A_222, %dma_wait3A_223, %dma_wait3A_224] : memref<2x3x128x128xf32, #tpu.memory_space<vmem>> -> memref<1x1x128x128xf32, #tpu.memory_space<vmem>>
    %dma_wait3A_226 = tpu.memref_squeeze %dma_wait3A_225 : memref<1x1x128x128xf32, #tpu.memory_space<vmem>> -> memref<128x128xf32, #tpu.memory_space<vmem>>
    %dma_wait3A_227 = arith.constant 0 : i32
    %dma_wait3A_228 = tpu.memref_slice %arg6[%dma_wait3A_220, %dma_wait3A_227] : memref<12x128xi32, #tpu.memory_space<vmem>> -> memref<1x128xi32, #tpu.memory_space<vmem>>
    %dma_wait3A_229 = tpu.memref_squeeze %dma_wait3A_228 : memref<1x128xi32, #tpu.memory_space<vmem>> -> memref<128xi32, #tpu.memory_space<vmem>>
    %dma_wait3A_230 = arith.constant 0 : i32
    %dma_wait3A_231 = arith.constant 0 : i32
    %dma_wait3A_232 = tpu.memref_slice %arg2[%dma_wait3A_230, %dma_wait3A_231] : memref<10000x128xf32, #tpu.memory_space<hbm>> -> memref<10000x128xf32, #tpu.memory_space<hbm>>
    tpu.wait_indirect_dma semaphore(%arg9 : memref<!tpu.dma_semaphore, #tpu.memory_space<semaphore_mem>>) src(%dma_wait3A_232 : memref<10000x128xf32, #tpu.memory_space<hbm>>) dst(%dma_wait3A_226 : memref<128x128xf32, #tpu.memory_space<vmem>>)
    %parallel_loop3A_233 = arith.constant 0 : i32
    %parallel_loop3A_234 = arith.constant 128 : i32
    %parallel_loop3A_235 = arith.constant 1 : i32
    scf.for %parallel_loop3A_455 = %parallel_loop3A_233 to %parallel_loop3A_234 step %parallel_loop3A_235  : i32 {
      %parallel_loop3A_456 = arith.constant 1 : i32
      %parallel_loop3A_457 = arith.constant 1 : i32
      %parallel_loop3A_458 = arith.index_cast %parallel_loop3A_456 : i32 to index
      %parallel_loop3A_459 = arith.index_cast %parallel_loop3A_457 : i32 to index
      %parallel_loop3A_460 = arith.index_cast %parallel_loop3A_455 : i32 to index
      %parallel_loop3A_461 = arith.constant 0 : index
      %parallel_loop3A_462 = tpu.vector_load %arg7[%parallel_loop3A_458, %parallel_loop3A_459, %parallel_loop3A_460, %parallel_loop3A_461] {strides = array<i32>} : memref<2x3x128x128xf32, #tpu.memory_space<vmem>>, vector<1x1x1x16xf32>,
      %parallel_loop3A_463 = vector.shape_cast %parallel_loop3A_462 : vector<1x1x1x16xf32> to vector<16xf32>
      %parallel_loop3A_464 = arith.constant 1 : i32
      %parallel_loop3A_465 = arith.constant 2 : i32
      %parallel_loop3A_466 = arith.index_cast %parallel_loop3A_464 : i32 to index
      %parallel_loop3A_467 = arith.index_cast %parallel_loop3A_465 : i32 to index
      %parallel_loop3A_468 = arith.index_cast %parallel_loop3A_455 : i32 to index
      %parallel_loop3A_469 = arith.constant 0 : index
      %parallel_loop3A_470 = tpu.vector_load %arg7[%parallel_loop3A_466, %parallel_loop3A_467, %parallel_loop3A_468, %parallel_loop3A_469] {strides = array<i32>} : memref<2x3x128x128xf32, #tpu.memory_space<vmem>>, vector<1x1x1x16xf32>,
      %parallel_loop3A_471 = vector.shape_cast %parallel_loop3A_470 : vector<1x1x1x16xf32> to vector<16xf32>
      %parallel_loop3A_472 = arith.addf %parallel_loop3A_463, %parallel_loop3A_471 : vector<16xf32>
      %parallel_loop3A_473 = arith.constant 1 : i32
      %parallel_loop3A_474 = arith.constant 0 : i32
      %parallel_loop3A_475 = arith.index_cast %parallel_loop3A_473 : i32 to index
      %parallel_loop3A_476 = arith.index_cast %parallel_loop3A_474 : i32 to index
      %parallel_loop3A_477 = arith.index_cast %parallel_loop3A_455 : i32 to index
      %parallel_loop3A_478 = arith.constant 0 : index
      %parallel_loop3A_479 = tpu.vector_load %arg7[%parallel_loop3A_475, %parallel_loop3A_476, %parallel_loop3A_477, %parallel_loop3A_478] {strides = array<i32>} : memref<2x3x128x128xf32, #tpu.memory_space<vmem>>, vector<1x1x1x16xf32>,
      %parallel_loop3A_480 = vector.shape_cast %parallel_loop3A_479 : vector<1x1x1x16xf32> to vector<16xf32>
      %parallel_loop3A_481 = vector.shape_cast %parallel_loop3A_472 : vector<16xf32> to vector<1x1x1x16xf32>
      tpu.vector_store %arg7[%parallel_loop3A_475, %parallel_loop3A_476, %parallel_loop3A_477, %parallel_loop3A_478], %parallel_loop3A_481 {add = true, strides = array<i32>} : memref<2x3x128x128xf32, #tpu.memory_space<vmem>>, vector<1x1x1x16xf32>,
      %parallel_loop3A_482 = arith.constant 1 : i32
      %parallel_loop3A_483 = arith.constant 1 : i32
      %parallel_loop3A_484 = arith.index_cast %parallel_loop3A_482 : i32 to index
      %parallel_loop3A_485 = arith.index_cast %parallel_loop3A_483 : i32 to index
      %parallel_loop3A_486 = arith.index_cast %parallel_loop3A_455 : i32 to index
      %parallel_loop3A_487 = arith.constant 16 : index
      %parallel_loop3A_488 = tpu.vector_load %arg7[%parallel_loop3A_484, %parallel_loop3A_485, %parallel_loop3A_486, %parallel_loop3A_487] {strides = array<i32>} : memref<2x3x128x128xf32, #tpu.memory_space<vmem>>, vector<1x1x1x16xf32>,
      %parallel_loop3A_489 = vector.shape_cast %parallel_loop3A_488 : vector<1x1x1x16xf32> to vector<16xf32>
      %parallel_loop3A_490 = arith.constant 1 : i32
      %parallel_loop3A_491 = arith.constant 2 : i32
      %parallel_loop3A_492 = arith.index_cast %parallel_loop3A_490 : i32 to index
      %parallel_loop3A_493 = arith.index_cast %parallel_loop3A_491 : i32 to index
      %parallel_loop3A_494 = arith.index_cast %parallel_loop3A_455 : i32 to index
      %parallel_loop3A_495 = arith.constant 16 : index
      %parallel_loop3A_496 = tpu.vector_load %arg7[%parallel_loop3A_492, %parallel_loop3A_493, %parallel_loop3A_494, %parallel_loop3A_495] {strides = array<i32>} : memref<2x3x128x128xf32, #tpu.memory_space<vmem>>, vector<1x1x1x16xf32>,
      %parallel_loop3A_497 = vector.shape_cast %parallel_loop3A_496 : vector<1x1x1x16xf32> to vector<16xf32>
      %parallel_loop3A_498 = arith.addf %parallel_loop3A_489, %parallel_loop3A_497 : vector<16xf32>
      %parallel_loop3A_499 = arith.constant 1 : i32
      %parallel_loop3A_500 = arith.constant 0 : i32
      %parallel_loop3A_501 = arith.index_cast %parallel_loop3A_499 : i32 to index
      %parallel_loop3A_502 = arith.index_cast %parallel_loop3A_500 : i32 to index
      %parallel_loop3A_503 = arith.index_cast %parallel_loop3A_455 : i32 to index
      %parallel_loop3A_504 = arith.constant 16 : index
      %parallel_loop3A_505 = tpu.vector_load %arg7[%parallel_loop3A_501, %parallel_loop3A_502, %parallel_loop3A_503, %parallel_loop3A_504] {strides = array<i32>} : memref<2x3x128x128xf32, #tpu.memory_space<vmem>>, vector<1x1x1x16xf32>,
      %parallel_loop3A_506 = vector.shape_cast %parallel_loop3A_505 : vector<1x1x1x16xf32> to vector<16xf32>
      %parallel_loop3A_507 = vector.shape_cast %parallel_loop3A_498 : vector<16xf32> to vector<1x1x1x16xf32>
      tpu.vector_store %arg7[%parallel_loop3A_501, %parallel_loop3A_502, %parallel_loop3A_503, %parallel_loop3A_504], %parallel_loop3A_507 {add = true, strides = array<i32>} : memref<2x3x128x128xf32, #tpu.memory_space<vmem>>, vector<1x1x1x16xf32>,
      %parallel_loop3A_508 = arith.constant 1 : i32
      %parallel_loop3A_509 = arith.constant 1 : i32
      %parallel_loop3A_510 = arith.index_cast %parallel_loop3A_508 : i32 to index
      %parallel_loop3A_511 = arith.index_cast %parallel_loop3A_509 : i32 to index
      %parallel_loop3A_512 = arith.index_cast %parallel_loop3A_455 : i32 to index
      %parallel_loop3A_513 = arith.constant 32 : index
      %parallel_loop3A_514 = tpu.vector_load %arg7[%parallel_loop3A_510, %parallel_loop3A_511, %parallel_loop3A_512, %parallel_loop3A_513] {strides = array<i32>} : memref<2x3x128x128xf32, #tpu.memory_space<vmem>>, vector<1x1x1x16xf32>,
      %parallel_loop3A_515 = vector.shape_cast %parallel_loop3A_514 : vector<1x1x1x16xf32> to vector<16xf32>
      %parallel_loop3A_516 = arith.constant 1 : i32
      %parallel_loop3A_517 = arith.constant 2 : i32
      %parallel_loop3A_518 = arith.index_cast %parallel_loop3A_516 : i32 to index
      %parallel_loop3A_519 = arith.index_cast %parallel_loop3A_517 : i32 to index
      %parallel_loop3A_520 = arith.index_cast %parallel_loop3A_455 : i32 to index
      %parallel_loop3A_521 = arith.constant 32 : index
      %parallel_loop3A_522 = tpu.vector_load %arg7[%parallel_loop3A_518, %parallel_loop3A_519, %parallel_loop3A_520, %parallel_loop3A_521] {strides = array<i32>} : memref<2x3x128x128xf32, #tpu.memory_space<vmem>>, vector<1x1x1x16xf32>,
      %parallel_loop3A_523 = vector.shape_cast %parallel_loop3A_522 : vector<1x1x1x16xf32> to vector<16xf32>
      %parallel_loop3A_524 = arith.addf %parallel_loop3A_515, %parallel_loop3A_523 : vector<16xf32>
      %parallel_loop3A_525 = arith.constant 1 : i32
      %parallel_loop3A_526 = arith.constant 0 : i32
      %parallel_loop3A_527 = arith.index_cast %parallel_loop3A_525 : i32 to index
      %parallel_loop3A_528 = arith.index_cast %parallel_loop3A_526 : i32 to index
      %parallel_loop3A_529 = arith.index_cast %parallel_loop3A_455 : i32 to index
      %parallel_loop3A_530 = arith.constant 32 : index
      %parallel_loop3A_531 = tpu.vector_load %arg7[%parallel_loop3A_527, %parallel_loop3A_528, %parallel_loop3A_529, %parallel_loop3A_530] {strides = array<i32>} : memref<2x3x128x128xf32, #tpu.memory_space<vmem>>, vector<1x1x1x16xf32>,
      %parallel_loop3A_532 = vector.shape_cast %parallel_loop3A_531 : vector<1x1x1x16xf32> to vector<16xf32>
      %parallel_loop3A_533 = vector.shape_cast %parallel_loop3A_524 : vector<16xf32> to vector<1x1x1x16xf32>
      tpu.vector_store %arg7[%parallel_loop3A_527, %parallel_loop3A_528, %parallel_loop3A_529, %parallel_loop3A_530], %parallel_loop3A_533 {add = true, strides = array<i32>} : memref<2x3x128x128xf32, #tpu.memory_space<vmem>>, vector<1x1x1x16xf32>,
      %parallel_loop3A_534 = arith.constant 1 : i32
      %parallel_loop3A_535 = arith.constant 1 : i32
      %parallel_loop3A_536 = arith.index_cast %parallel_loop3A_534 : i32 to index
      %parallel_loop3A_537 = arith.index_cast %parallel_loop3A_535 : i32 to index
      %parallel_loop3A_538 = arith.index_cast %parallel_loop3A_455 : i32 to index
      %parallel_loop3A_539 = arith.constant 48 : index
      %parallel_loop3A_540 = tpu.vector_load %arg7[%parallel_loop3A_536, %parallel_loop3A_537, %parallel_loop3A_538, %parallel_loop3A_539] {strides = array<i32>} : memref<2x3x128x128xf32, #tpu.memory_space<vmem>>, vector<1x1x1x16xf32>,
      %parallel_loop3A_541 = vector.shape_cast %parallel_loop3A_540 : vector<1x1x1x16xf32> to vector<16xf32>
      %parallel_loop3A_542 = arith.constant 1 : i32
      %parallel_loop3A_543 = arith.constant 2 : i32
      %parallel_loop3A_544 = arith.index_cast %parallel_loop3A_542 : i32 to index
      %parallel_loop3A_545 = arith.index_cast %parallel_loop3A_543 : i32 to index
      %parallel_loop3A_546 = arith.index_cast %parallel_loop3A_455 : i32 to index
      %parallel_loop3A_547 = arith.constant 48 : index
      %parallel_loop3A_548 = tpu.vector_load %arg7[%parallel_loop3A_544, %parallel_loop3A_545, %parallel_loop3A_546, %parallel_loop3A_547] {strides = array<i32>} : memref<2x3x128x128xf32, #tpu.memory_space<vmem>>, vector<1x1x1x16xf32>,
      %parallel_loop3A_549 = vector.shape_cast %parallel_loop3A_548 : vector<1x1x1x16xf32> to vector<16xf32>
      %parallel_loop3A_550 = arith.addf %parallel_loop3A_541, %parallel_loop3A_549 : vector<16xf32>
      %parallel_loop3A_551 = arith.constant 1 : i32
      %parallel_loop3A_552 = arith.constant 0 : i32
      %parallel_loop3A_553 = arith.index_cast %parallel_loop3A_551 : i32 to index
      %parallel_loop3A_554 = arith.index_cast %parallel_loop3A_552 : i32 to index
      %parallel_loop3A_555 = arith.index_cast %parallel_loop3A_455 : i32 to index
      %parallel_loop3A_556 = arith.constant 48 : index
      %parallel_loop3A_557 = tpu.vector_load %arg7[%parallel_loop3A_553, %parallel_loop3A_554, %parallel_loop3A_555, %parallel_loop3A_556] {strides = array<i32>} : memref<2x3x128x128xf32, #tpu.memory_space<vmem>>, vector<1x1x1x16xf32>,
      %parallel_loop3A_558 = vector.shape_cast %parallel_loop3A_557 : vector<1x1x1x16xf32> to vector<16xf32>
      %parallel_loop3A_559 = vector.shape_cast %parallel_loop3A_550 : vector<16xf32> to vector<1x1x1x16xf32>
      tpu.vector_store %arg7[%parallel_loop3A_553, %parallel_loop3A_554, %parallel_loop3A_555, %parallel_loop3A_556], %parallel_loop3A_559 {add = true, strides = array<i32>} : memref<2x3x128x128xf32, #tpu.memory_space<vmem>>, vector<1x1x1x16xf32>,
      %parallel_loop3A_560 = arith.constant 1 : i32
      %parallel_loop3A_561 = arith.constant 1 : i32
      %parallel_loop3A_562 = arith.index_cast %parallel_loop3A_560 : i32 to index
      %parallel_loop3A_563 = arith.index_cast %parallel_loop3A_561 : i32 to index
      %parallel_loop3A_564 = arith.index_cast %parallel_loop3A_455 : i32 to index
      %parallel_loop3A_565 = arith.constant 64 : index
      %parallel_loop3A_566 = tpu.vector_load %arg7[%parallel_loop3A_562, %parallel_loop3A_563, %parallel_loop3A_564, %parallel_loop3A_565] {strides = array<i32>} : memref<2x3x128x128xf32, #tpu.memory_space<vmem>>, vector<1x1x1x16xf32>,
      %parallel_loop3A_567 = vector.shape_cast %parallel_loop3A_566 : vector<1x1x1x16xf32> to vector<16xf32>
      %parallel_loop3A_568 = arith.constant 1 : i32
      %parallel_loop3A_569 = arith.constant 2 : i32
      %parallel_loop3A_570 = arith.index_cast %parallel_loop3A_568 : i32 to index
      %parallel_loop3A_571 = arith.index_cast %parallel_loop3A_569 : i32 to index
      %parallel_loop3A_572 = arith.index_cast %parallel_loop3A_455 : i32 to index
      %parallel_loop3A_573 = arith.constant 64 : index
      %parallel_loop3A_574 = tpu.vector_load %arg7[%parallel_loop3A_570, %parallel_loop3A_571, %parallel_loop3A_572, %parallel_loop3A_573] {strides = array<i32>} : memref<2x3x128x128xf32, #tpu.memory_space<vmem>>, vector<1x1x1x16xf32>,
      %parallel_loop3A_575 = vector.shape_cast %parallel_loop3A_574 : vector<1x1x1x16xf32> to vector<16xf32>
      %parallel_loop3A_576 = arith.addf %parallel_loop3A_567, %parallel_loop3A_575 : vector<16xf32>
      %parallel_loop3A_577 = arith.constant 1 : i32
      %parallel_loop3A_578 = arith.constant 0 : i32
      %parallel_loop3A_579 = arith.index_cast %parallel_loop3A_577 : i32 to index
      %parallel_loop3A_580 = arith.index_cast %parallel_loop3A_578 : i32 to index
      %parallel_loop3A_581 = arith.index_cast %parallel_loop3A_455 : i32 to index
      %parallel_loop3A_582 = arith.constant 64 : index
      %parallel_loop3A_583 = tpu.vector_load %arg7[%parallel_loop3A_579, %parallel_loop3A_580, %parallel_loop3A_581, %parallel_loop3A_582] {strides = array<i32>} : memref<2x3x128x128xf32, #tpu.memory_space<vmem>>, vector<1x1x1x16xf32>,
      %parallel_loop3A_584 = vector.shape_cast %parallel_loop3A_583 : vector<1x1x1x16xf32> to vector<16xf32>
      %parallel_loop3A_585 = vector.shape_cast %parallel_loop3A_576 : vector<16xf32> to vector<1x1x1x16xf32>
      tpu.vector_store %arg7[%parallel_loop3A_579, %parallel_loop3A_580, %parallel_loop3A_581, %parallel_loop3A_582], %parallel_loop3A_585 {add = true, strides = array<i32>} : memref<2x3x128x128xf32, #tpu.memory_space<vmem>>, vector<1x1x1x16xf32>,
      %parallel_loop3A_586 = arith.constant 1 : i32
      %parallel_loop3A_587 = arith.constant 1 : i32
      %parallel_loop3A_588 = arith.index_cast %parallel_loop3A_586 : i32 to index
      %parallel_loop3A_589 = arith.index_cast %parallel_loop3A_587 : i32 to index
      %parallel_loop3A_590 = arith.index_cast %parallel_loop3A_455 : i32 to index
      %parallel_loop3A_591 = arith.constant 80 : index
      %parallel_loop3A_592 = tpu.vector_load %arg7[%parallel_loop3A_588, %parallel_loop3A_589, %parallel_loop3A_590, %parallel_loop3A_591] {strides = array<i32>} : memref<2x3x128x128xf32, #tpu.memory_space<vmem>>, vector<1x1x1x16xf32>,
      %parallel_loop3A_593 = vector.shape_cast %parallel_loop3A_592 : vector<1x1x1x16xf32> to vector<16xf32>
      %parallel_loop3A_594 = arith.constant 1 : i32
      %parallel_loop3A_595 = arith.constant 2 : i32
      %parallel_loop3A_596 = arith.index_cast %parallel_loop3A_594 : i32 to index
      %parallel_loop3A_597 = arith.index_cast %parallel_loop3A_595 : i32 to index
      %parallel_loop3A_598 = arith.index_cast %parallel_loop3A_455 : i32 to index
      %parallel_loop3A_599 = arith.constant 80 : index
      %parallel_loop3A_600 = tpu.vector_load %arg7[%parallel_loop3A_596, %parallel_loop3A_597, %parallel_loop3A_598, %parallel_loop3A_599] {strides = array<i32>} : memref<2x3x128x128xf32, #tpu.memory_space<vmem>>, vector<1x1x1x16xf32>,
      %parallel_loop3A_601 = vector.shape_cast %parallel_loop3A_600 : vector<1x1x1x16xf32> to vector<16xf32>
      %parallel_loop3A_602 = arith.addf %parallel_loop3A_593, %parallel_loop3A_601 : vector<16xf32>
      %parallel_loop3A_603 = arith.constant 1 : i32
      %parallel_loop3A_604 = arith.constant 0 : i32
      %parallel_loop3A_605 = arith.index_cast %parallel_loop3A_603 : i32 to index
      %parallel_loop3A_606 = arith.index_cast %parallel_loop3A_604 : i32 to index
      %parallel_loop3A_607 = arith.index_cast %parallel_loop3A_455 : i32 to index
      %parallel_loop3A_608 = arith.constant 80 : index
      %parallel_loop3A_609 = tpu.vector_load %arg7[%parallel_loop3A_605, %parallel_loop3A_606, %parallel_loop3A_607, %parallel_loop3A_608] {strides = array<i32>} : memref<2x3x128x128xf32, #tpu.memory_space<vmem>>, vector<1x1x1x16xf32>,
      %parallel_loop3A_610 = vector.shape_cast %parallel_loop3A_609 : vector<1x1x1x16xf32> to vector<16xf32>
      %parallel_loop3A_611 = vector.shape_cast %parallel_loop3A_602 : vector<16xf32> to vector<1x1x1x16xf32>
      tpu.vector_store %arg7[%parallel_loop3A_605, %parallel_loop3A_606, %parallel_loop3A_607, %parallel_loop3A_608], %parallel_loop3A_611 {add = true, strides = array<i32>} : memref<2x3x128x128xf32, #tpu.memory_space<vmem>>, vector<1x1x1x16xf32>,
      %parallel_loop3A_612 = arith.constant 1 : i32
      %parallel_loop3A_613 = arith.constant 1 : i32
      %parallel_loop3A_614 = arith.index_cast %parallel_loop3A_612 : i32 to index
      %parallel_loop3A_615 = arith.index_cast %parallel_loop3A_613 : i32 to index
      %parallel_loop3A_616 = arith.index_cast %parallel_loop3A_455 : i32 to index
      %parallel_loop3A_617 = arith.constant 96 : index
      %parallel_loop3A_618 = tpu.vector_load %arg7[%parallel_loop3A_614, %parallel_loop3A_615, %parallel_loop3A_616, %parallel_loop3A_617] {strides = array<i32>} : memref<2x3x128x128xf32, #tpu.memory_space<vmem>>, vector<1x1x1x16xf32>,
      %parallel_loop3A_619 = vector.shape_cast %parallel_loop3A_618 : vector<1x1x1x16xf32> to vector<16xf32>
      %parallel_loop3A_620 = arith.constant 1 : i32
      %parallel_loop3A_621 = arith.constant 2 : i32
      %parallel_loop3A_622 = arith.index_cast %parallel_loop3A_620 : i32 to index
      %parallel_loop3A_623 = arith.index_cast %parallel_loop3A_621 : i32 to index
      %parallel_loop3A_624 = arith.index_cast %parallel_loop3A_455 : i32 to index
      %parallel_loop3A_625 = arith.constant 96 : index
      %parallel_loop3A_626 = tpu.vector_load %arg7[%parallel_loop3A_622, %parallel_loop3A_623, %parallel_loop3A_624, %parallel_loop3A_625] {strides = array<i32>} : memref<2x3x128x128xf32, #tpu.memory_space<vmem>>, vector<1x1x1x16xf32>,
      %parallel_loop3A_627 = vector.shape_cast %parallel_loop3A_626 : vector<1x1x1x16xf32> to vector<16xf32>
      %parallel_loop3A_628 = arith.addf %parallel_loop3A_619, %parallel_loop3A_627 : vector<16xf32>
      %parallel_loop3A_629 = arith.constant 1 : i32
      %parallel_loop3A_630 = arith.constant 0 : i32
      %parallel_loop3A_631 = arith.index_cast %parallel_loop3A_629 : i32 to index
      %parallel_loop3A_632 = arith.index_cast %parallel_loop3A_630 : i32 to index
      %parallel_loop3A_633 = arith.index_cast %parallel_loop3A_455 : i32 to index
      %parallel_loop3A_634 = arith.constant 96 : index
      %parallel_loop3A_635 = tpu.vector_load %arg7[%parallel_loop3A_631, %parallel_loop3A_632, %parallel_loop3A_633, %parallel_loop3A_634] {strides = array<i32>} : memref<2x3x128x128xf32, #tpu.memory_space<vmem>>, vector<1x1x1x16xf32>,
      %parallel_loop3A_636 = vector.shape_cast %parallel_loop3A_635 : vector<1x1x1x16xf32> to vector<16xf32>
      %parallel_loop3A_637 = vector.shape_cast %parallel_loop3A_628 : vector<16xf32> to vector<1x1x1x16xf32>
      tpu.vector_store %arg7[%parallel_loop3A_631, %parallel_loop3A_632, %parallel_loop3A_633, %parallel_loop3A_634], %parallel_loop3A_637 {add = true, strides = array<i32>} : memref<2x3x128x128xf32, #tpu.memory_space<vmem>>, vector<1x1x1x16xf32>,
      %parallel_loop3A_638 = arith.constant 1 : i32
      %parallel_loop3A_639 = arith.constant 1 : i32
      %parallel_loop3A_640 = arith.index_cast %parallel_loop3A_638 : i32 to index
      %parallel_loop3A_641 = arith.index_cast %parallel_loop3A_639 : i32 to index
      %parallel_loop3A_642 = arith.index_cast %parallel_loop3A_455 : i32 to index
      %parallel_loop3A_643 = arith.constant 112 : index
      %parallel_loop3A_644 = tpu.vector_load %arg7[%parallel_loop3A_640, %parallel_loop3A_641, %parallel_loop3A_642, %parallel_loop3A_643] {strides = array<i32>} : memref<2x3x128x128xf32, #tpu.memory_space<vmem>>, vector<1x1x1x16xf32>,
      %parallel_loop3A_645 = vector.shape_cast %parallel_loop3A_644 : vector<1x1x1x16xf32> to vector<16xf32>
      %parallel_loop3A_646 = arith.constant 1 : i32
      %parallel_loop3A_647 = arith.constant 2 : i32
      %parallel_loop3A_648 = arith.index_cast %parallel_loop3A_646 : i32 to index
      %parallel_loop3A_649 = arith.index_cast %parallel_loop3A_647 : i32 to index
      %parallel_loop3A_650 = arith.index_cast %parallel_loop3A_455 : i32 to index
      %parallel_loop3A_651 = arith.constant 112 : index
      %parallel_loop3A_652 = tpu.vector_load %arg7[%parallel_loop3A_648, %parallel_loop3A_649, %parallel_loop3A_650, %parallel_loop3A_651] {strides = array<i32>} : memref<2x3x128x128xf32, #tpu.memory_space<vmem>>, vector<1x1x1x16xf32>,
      %parallel_loop3A_653 = vector.shape_cast %parallel_loop3A_652 : vector<1x1x1x16xf32> to vector<16xf32>
      %parallel_loop3A_654 = arith.addf %parallel_loop3A_645, %parallel_loop3A_653 : vector<16xf32>
      %parallel_loop3A_655 = arith.constant 1 : i32
      %parallel_loop3A_656 = arith.constant 0 : i32
      %parallel_loop3A_657 = arith.index_cast %parallel_loop3A_655 : i32 to index
      %parallel_loop3A_658 = arith.index_cast %parallel_loop3A_656 : i32 to index
      %parallel_loop3A_659 = arith.index_cast %parallel_loop3A_455 : i32 to index
      %parallel_loop3A_660 = arith.constant 112 : index
      %parallel_loop3A_661 = tpu.vector_load %arg7[%parallel_loop3A_657, %parallel_loop3A_658, %parallel_loop3A_659, %parallel_loop3A_660] {strides = array<i32>} : memref<2x3x128x128xf32, #tpu.memory_space<vmem>>, vector<1x1x1x16xf32>,
      %parallel_loop3A_662 = vector.shape_cast %parallel_loop3A_661 : vector<1x1x1x16xf32> to vector<16xf32>
      %parallel_loop3A_663 = vector.shape_cast %parallel_loop3A_654 : vector<16xf32> to vector<1x1x1x16xf32>
      tpu.vector_store %arg7[%parallel_loop3A_657, %parallel_loop3A_658, %parallel_loop3A_659, %parallel_loop3A_660], %parallel_loop3A_663 {add = true, strides = array<i32>} : memref<2x3x128x128xf32, #tpu.memory_space<vmem>>, vector<1x1x1x16xf32>,
    } {sc.loop_unroll_factor = 1 : i64, sc.parallel_access}
    %mul3A_236 = arith.constant 512 : i32
    %mul3A_237 = arith.muli %add3A, %mul3A_236 : i32
    %add3A_238 = arith.constant 128 : i32
    %add3A_239 = arith.addi %mul3A_237, %add3A_238 : i32
    %dma_start3A_240 = arith.constant 1 : i32
    %dma_start3A_241 = arith.constant 0 : i32
    %dma_start3A_242 = arith.constant 0 : i32
    %dma_start3A_243 = arith.constant 0 : i32
    %dma_start3A_244 = tpu.memref_slice %arg7[%dma_start3A_240, %dma_start3A_241, %dma_start3A_242, %dma_start3A_243] : memref<2x3x128x128xf32, #tpu.memory_space<vmem>> -> memref<1x1x128x128xf32, #tpu.memory_space<vmem>>
    %dma_start3A_245 = tpu.memref_squeeze %dma_start3A_244 : memref<1x1x128x128xf32, #tpu.memory_space<vmem>> -> memref<128x128xf32, #tpu.memory_space<vmem>>
    %dma_start3A_246 = arith.constant 0 : i32
    %dma_start3A_247 = tpu.memref_slice %arg4[%add3A_239, %dma_start3A_246] : memref<16384x128xf32, #tpu.memory_space<hbm>> -> memref<128x128xf32, #tpu.memory_space<hbm>>
    %dma_start3A_248 = arith.constant 0 : i32
    %dma_start3A_249 = tpu.memref_slice %arg4[%add3A_239, %dma_start3A_248] : memref<16384x128xf32, #tpu.memory_space<hbm>> -> memref<128x128xf32, #tpu.memory_space<hbm>>
    %dma_start3A_250 = arith.constant 0 : i32
    %dma_start3A_251 = arith.constant 0 : i32
    %dma_start3A_252 = tpu.memref_slice %arg7[%dma_start3A_240, %dma_start3A_241, %dma_start3A_250, %dma_start3A_251] : memref<2x3x128x128xf32, #tpu.memory_space<vmem>> -> memref<1x1x128x128xf32, #tpu.memory_space<vmem>>
    %dma_start3A_253 = tpu.memref_squeeze %dma_start3A_252 : memref<1x1x128x128xf32, #tpu.memory_space<vmem>> -> memref<128x128xf32, #tpu.memory_space<vmem>>
    tpu.enqueue_dma source(%dma_start3A_253 : memref<128x128xf32, #tpu.memory_space<vmem>>) target(%dma_start3A_249 : memref<128x128xf32, #tpu.memory_space<hbm>>) target_semaphore(%arg10 : memref<!tpu.dma_semaphore, #tpu.memory_space<semaphore_mem>>)
    %dma_wait3A_254 = arith.constant 1 : i32
    %dma_wait3A_255 = arith.constant 0 : i32
    %dma_wait3A_256 = arith.constant 0 : i32
    %dma_wait3A_257 = arith.constant 0 : i32
    %dma_wait3A_258 = tpu.memref_slice %arg7[%dma_wait3A_254, %dma_wait3A_255, %dma_wait3A_256, %dma_wait3A_257] : memref<2x3x128x128xf32, #tpu.memory_space<vmem>> -> memref<1x1x128x128xf32, #tpu.memory_space<vmem>>
    %dma_wait3A_259 = tpu.memref_squeeze %dma_wait3A_258 : memref<1x1x128x128xf32, #tpu.memory_space<vmem>> -> memref<128x128xf32, #tpu.memory_space<vmem>>
    %dma_wait3A_260 = arith.constant 0 : i32
    %dma_wait3A_261 = tpu.memref_slice %arg4[%add3A_239, %dma_wait3A_260] : memref<16384x128xf32, #tpu.memory_space<hbm>> -> memref<128x128xf32, #tpu.memory_space<hbm>>
    %dma_wait3A_262 = arith.constant 0 : i32
    %dma_wait3A_263 = tpu.memref_slice %arg4[%add3A_239, %dma_wait3A_262] : memref<16384x128xf32, #tpu.memory_space<hbm>> -> memref<128x128xf32, #tpu.memory_space<hbm>>
    %dma_wait3A_264 = arith.constant 0 : i32
    %dma_wait3A_265 = arith.constant 0 : i32
    %dma_wait3A_266 = tpu.memref_slice %arg7[%dma_wait3A_254, %dma_wait3A_255, %dma_wait3A_264, %dma_wait3A_265] : memref<2x3x128x128xf32, #tpu.memory_space<vmem>> -> memref<1x1x128x128xf32, #tpu.memory_space<vmem>>
    %dma_wait3A_267 = tpu.memref_squeeze %dma_wait3A_266 : memref<1x1x128x128xf32, #tpu.memory_space<vmem>> -> memref<128x128xf32, #tpu.memory_space<vmem>>
    tpu.wait_dma2 semaphore(%arg10 : memref<!tpu.dma_semaphore, #tpu.memory_space<semaphore_mem>>) src(%dma_wait3A_267 : memref<128x128xf32, #tpu.memory_space<vmem>>) dst(%dma_wait3A_263 : memref<128x128xf32, #tpu.memory_space<hbm>>)
    %dma_start3A_268 = arith.constant 3 : i32
    %dma_start3A_269 = arith.constant 1 : i32
    %dma_start3A_270 = arith.constant 0 : i32
    %dma_start3A_271 = arith.constant 0 : i32
    %dma_start3A_272 = arith.constant 0 : i32
    %dma_start3A_273 = tpu.memref_slice %arg7[%dma_start3A_269, %dma_start3A_270, %dma_start3A_271, %dma_start3A_272] : memref<2x3x128x128xf32, #tpu.memory_space<vmem>> -> memref<1x1x128x128xf32, #tpu.memory_space<vmem>>
    %dma_start3A_274 = tpu.memref_squeeze %dma_start3A_273 : memref<1x1x128x128xf32, #tpu.memory_space<vmem>> -> memref<128x128xf32, #tpu.memory_space<vmem>>
    %dma_start3A_275 = arith.constant 0 : i32
    %dma_start3A_276 = tpu.memref_slice %arg6[%dma_start3A_268, %dma_start3A_275] : memref<12x128xi32, #tpu.memory_space<vmem>> -> memref<1x128xi32, #tpu.memory_space<vmem>>
    %dma_start3A_277 = tpu.memref_squeeze %dma_start3A_276 : memref<1x128xi32, #tpu.memory_space<vmem>> -> memref<128xi32, #tpu.memory_space<vmem>>
    %dma_start3A_278 = arith.constant 0 : i32
    %dma_start3A_279 = arith.constant 0 : i32
    %dma_start3A_280 = tpu.memref_slice %arg2[%dma_start3A_278, %dma_start3A_279] : memref<10000x128xf32, #tpu.memory_space<hbm>> -> memref<10000x128xf32, #tpu.memory_space<hbm>>
    tpu.enqueue_indirect_dma source(%dma_start3A_280 : memref<10000x128xf32, #tpu.memory_space<hbm>>) target(%dma_start3A_274 : memref<128x128xf32, #tpu.memory_space<vmem>>) offsets(%dma_start3A_277 : memref<128xi32, #tpu.memory_space<vmem>>) semaphore(%arg9 : memref<!tpu.dma_semaphore, #tpu.memory_space<semaphore_mem>>)
    %dma_start3A_281 = arith.constant 7 : i32
    %dma_start3A_282 = arith.constant 1 : i32
    %dma_start3A_283 = arith.constant 1 : i32
    %dma_start3A_284 = arith.constant 0 : i32
    %dma_start3A_285 = arith.constant 0 : i32
    %dma_start3A_286 = tpu.memref_slice %arg7[%dma_start3A_282, %dma_start3A_283, %dma_start3A_284, %dma_start3A_285] : memref<2x3x128x128xf32, #tpu.memory_space<vmem>> -> memref<1x1x128x128xf32, #tpu.memory_space<vmem>>
    %dma_start3A_287 = tpu.memref_squeeze %dma_start3A_286 : memref<1x1x128x128xf32, #tpu.memory_space<vmem>> -> memref<128x128xf32, #tpu.memory_space<vmem>>
    %dma_start3A_288 = arith.constant 0 : i32
    %dma_start3A_289 = tpu.memref_slice %arg6[%dma_start3A_281, %dma_start3A_288] : memref<12x128xi32, #tpu.memory_space<vmem>> -> memref<1x128xi32, #tpu.memory_space<vmem>>
    %dma_start3A_290 = tpu.memref_squeeze %dma_start3A_289 : memref<1x128xi32, #tpu.memory_space<vmem>> -> memref<128xi32, #tpu.memory_space<vmem>>
    %dma_start3A_291 = arith.constant 0 : i32
    %dma_start3A_292 = arith.constant 0 : i32
    %dma_start3A_293 = tpu.memref_slice %arg2[%dma_start3A_291, %dma_start3A_292] : memref<10000x128xf32, #tpu.memory_space<hbm>> -> memref<10000x128xf32, #tpu.memory_space<hbm>>
    tpu.enqueue_indirect_dma source(%dma_start3A_293 : memref<10000x128xf32, #tpu.memory_space<hbm>>) target(%dma_start3A_287 : memref<128x128xf32, #tpu.memory_space<vmem>>) offsets(%dma_start3A_290 : memref<128xi32, #tpu.memory_space<vmem>>) semaphore(%arg9 : memref<!tpu.dma_semaphore, #tpu.memory_space<semaphore_mem>>)
    %dma_start3A_294 = arith.constant 11 : i32
    %dma_start3A_295 = arith.constant 1 : i32
    %dma_start3A_296 = arith.constant 2 : i32
    %dma_start3A_297 = arith.constant 0 : i32
    %dma_start3A_298 = arith.constant 0 : i32
    %dma_start3A_299 = tpu.memref_slice %arg7[%dma_start3A_295, %dma_start3A_296, %dma_start3A_297, %dma_start3A_298] : memref<2x3x128x128xf32, #tpu.memory_space<vmem>> -> memref<1x1x128x128xf32, #tpu.memory_space<vmem>>
    %dma_start3A_300 = tpu.memref_squeeze %dma_start3A_299 : memref<1x1x128x128xf32, #tpu.memory_space<vmem>> -> memref<128x128xf32, #tpu.memory_space<vmem>>
    %dma_start3A_301 = arith.constant 0 : i32
    %dma_start3A_302 = tpu.memref_slice %arg6[%dma_start3A_294, %dma_start3A_301] : memref<12x128xi32, #tpu.memory_space<vmem>> -> memref<1x128xi32, #tpu.memory_space<vmem>>
    %dma_start3A_303 = tpu.memref_squeeze %dma_start3A_302 : memref<1x128xi32, #tpu.memory_space<vmem>> -> memref<128xi32, #tpu.memory_space<vmem>>
    %dma_start3A_304 = arith.constant 0 : i32
    %dma_start3A_305 = arith.constant 0 : i32
    %dma_start3A_306 = tpu.memref_slice %arg2[%dma_start3A_304, %dma_start3A_305] : memref<10000x128xf32, #tpu.memory_space<hbm>> -> memref<10000x128xf32, #tpu.memory_space<hbm>>
    tpu.enqueue_indirect_dma source(%dma_start3A_306 : memref<10000x128xf32, #tpu.memory_space<hbm>>) target(%dma_start3A_300 : memref<128x128xf32, #tpu.memory_space<vmem>>) offsets(%dma_start3A_303 : memref<128xi32, #tpu.memory_space<vmem>>) semaphore(%arg9 : memref<!tpu.dma_semaphore, #tpu.memory_space<semaphore_mem>>)
    %dma_wait3A_307 = arith.constant 2 : i32
    %dma_wait3A_308 = arith.constant 0 : i32
    %dma_wait3A_309 = arith.constant 0 : i32
    %dma_wait3A_310 = arith.constant 0 : i32
    %dma_wait3A_311 = arith.constant 0 : i32
    %dma_wait3A_312 = tpu.memref_slice %arg7[%dma_wait3A_308, %dma_wait3A_309, %dma_wait3A_310, %dma_wait3A_311] : memref<2x3x128x128xf32, #tpu.memory_space<vmem>> -> memref<1x1x128x128xf32, #tpu.memory_space<vmem>>
    %dma_wait3A_313 = tpu.memref_squeeze %dma_wait3A_312 : memref<1x1x128x128xf32, #tpu.memory_space<vmem>> -> memref<128x128xf32, #tpu.memory_space<vmem>>
    %dma_wait3A_314 = arith.constant 0 : i32
    %dma_wait3A_315 = tpu.memref_slice %arg6[%dma_wait3A_307, %dma_wait3A_314] : memref<12x128xi32, #tpu.memory_space<vmem>> -> memref<1x128xi32, #tpu.memory_space<vmem>>
    %dma_wait3A_316 = tpu.memref_squeeze %dma_wait3A_315 : memref<1x128xi32, #tpu.memory_space<vmem>> -> memref<128xi32, #tpu.memory_space<vmem>>
    %dma_wait3A_317 = arith.constant 0 : i32
    %dma_wait3A_318 = arith.constant 0 : i32
    %dma_wait3A_319 = tpu.memref_slice %arg2[%dma_wait3A_317, %dma_wait3A_318] : memref<10000x128xf32, #tpu.memory_space<hbm>> -> memref<10000x128xf32, #tpu.memory_space<hbm>>
    tpu.wait_indirect_dma semaphore(%arg8 : memref<!tpu.dma_semaphore, #tpu.memory_space<semaphore_mem>>) src(%dma_wait3A_319 : memref<10000x128xf32, #tpu.memory_space<hbm>>) dst(%dma_wait3A_313 : memref<128x128xf32, #tpu.memory_space<vmem>>)
    %dma_wait3A_320 = arith.constant 6 : i32
    %dma_wait3A_321 = arith.constant 0 : i32
    %dma_wait3A_322 = arith.constant 1 : i32
    %dma_wait3A_323 = arith.constant 0 : i32
    %dma_wait3A_324 = arith.constant 0 : i32
    %dma_wait3A_325 = tpu.memref_slice %arg7[%dma_wait3A_321, %dma_wait3A_322, %dma_wait3A_323, %dma_wait3A_324] : memref<2x3x128x128xf32, #tpu.memory_space<vmem>> -> memref<1x1x128x128xf32, #tpu.memory_space<vmem>>
    %dma_wait3A_326 = tpu.memref_squeeze %dma_wait3A_325 : memref<1x1x128x128xf32, #tpu.memory_space<vmem>> -> memref<128x128xf32, #tpu.memory_space<vmem>>
    %dma_wait3A_327 = arith.constant 0 : i32
    %dma_wait3A_328 = tpu.memref_slice %arg6[%dma_wait3A_320, %dma_wait3A_327] : memref<12x128xi32, #tpu.memory_space<vmem>> -> memref<1x128xi32, #tpu.memory_space<vmem>>
    %dma_wait3A_329 = tpu.memref_squeeze %dma_wait3A_328 : memref<1x128xi32, #tpu.memory_space<vmem>> -> memref<128xi32, #tpu.memory_space<vmem>>
    %dma_wait3A_330 = arith.constant 0 : i32
    %dma_wait3A_331 = arith.constant 0 : i32
    %dma_wait3A_332 = tpu.memref_slice %arg2[%dma_wait3A_330, %dma_wait3A_331] : memref<10000x128xf32, #tpu.memory_space<hbm>> -> memref<10000x128xf32, #tpu.memory_space<hbm>>
    tpu.wait_indirect_dma semaphore(%arg8 : memref<!tpu.dma_semaphore, #tpu.memory_space<semaphore_mem>>) src(%dma_wait3A_332 : memref<10000x128xf32, #tpu.memory_space<hbm>>) dst(%dma_wait3A_326 : memref<128x128xf32, #tpu.memory_space<vmem>>)
    %dma_wait3A_333 = arith.constant 10 : i32
    %dma_wait3A_334 = arith.constant 0 : i32
    %dma_wait3A_335 = arith.constant 2 : i32
    %dma_wait3A_336 = arith.constant 0 : i32
    %dma_wait3A_337 = arith.constant 0 : i32
    %dma_wait3A_338 = tpu.memref_slice %arg7[%dma_wait3A_334, %dma_wait3A_335, %dma_wait3A_336, %dma_wait3A_337] : memref<2x3x128x128xf32, #tpu.memory_space<vmem>> -> memref<1x1x128x128xf32, #tpu.memory_space<vmem>>
    %dma_wait3A_339 = tpu.memref_squeeze %dma_wait3A_338 : memref<1x1x128x128xf32, #tpu.memory_space<vmem>> -> memref<128x128xf32, #tpu.memory_space<vmem>>
    %dma_wait3A_340 = arith.constant 0 : i32
    %dma_wait3A_341 = tpu.memref_slice %arg6[%dma_wait3A_333, %dma_wait3A_340] : memref<12x128xi32, #tpu.memory_space<vmem>> -> memref<1x128xi32, #tpu.memory_space<vmem>>
    %dma_wait3A_342 = tpu.memref_squeeze %dma_wait3A_341 : memref<1x128xi32, #tpu.memory_space<vmem>> -> memref<128xi32, #tpu.memory_space<vmem>>
    %dma_wait3A_343 = arith.constant 0 : i32
    %dma_wait3A_344 = arith.constant 0 : i32
    %dma_wait3A_345 = tpu.memref_slice %arg2[%dma_wait3A_343, %dma_wait3A_344] : memref<10000x128xf32, #tpu.memory_space<hbm>> -> memref<10000x128xf32, #tpu.memory_space<hbm>>
    tpu.wait_indirect_dma semaphore(%arg8 : memref<!tpu.dma_semaphore, #tpu.memory_space<semaphore_mem>>) src(%dma_wait3A_345 : memref<10000x128xf32, #tpu.memory_space<hbm>>) dst(%dma_wait3A_339 : memref<128x128xf32, #tpu.memory_space<vmem>>)
    %parallel_loop3A_346 = arith.constant 0 : i32
    %parallel_loop3A_347 = arith.constant 128 : i32
    %parallel_loop3A_348 = arith.constant 1 : i32
    scf.for %parallel_loop3A_455 = %parallel_loop3A_346 to %parallel_loop3A_347 step %parallel_loop3A_348  : i32 {
      %parallel_loop3A_456 = arith.constant 0 : i32
      %parallel_loop3A_457 = arith.constant 1 : i32
      %parallel_loop3A_458 = arith.index_cast %parallel_loop3A_456 : i32 to index
      %parallel_loop3A_459 = arith.index_cast %parallel_loop3A_457 : i32 to index
      %parallel_loop3A_460 = arith.index_cast %parallel_loop3A_455 : i32 to index
      %parallel_loop3A_461 = arith.constant 0 : index
      %parallel_loop3A_462 = tpu.vector_load %arg7[%parallel_loop3A_458, %parallel_loop3A_459, %parallel_loop3A_460, %parallel_loop3A_461] {strides = array<i32>} : memref<2x3x128x128xf32, #tpu.memory_space<vmem>>, vector<1x1x1x16xf32>,
      %parallel_loop3A_463 = vector.shape_cast %parallel_loop3A_462 : vector<1x1x1x16xf32> to vector<16xf32>
      %parallel_loop3A_464 = arith.constant 0 : i32
      %parallel_loop3A_465 = arith.constant 2 : i32
      %parallel_loop3A_466 = arith.index_cast %parallel_loop3A_464 : i32 to index
      %parallel_loop3A_467 = arith.index_cast %parallel_loop3A_465 : i32 to index
      %parallel_loop3A_468 = arith.index_cast %parallel_loop3A_455 : i32 to index
      %parallel_loop3A_469 = arith.constant 0 : index
      %parallel_loop3A_470 = tpu.vector_load %arg7[%parallel_loop3A_466, %parallel_loop3A_467, %parallel_loop3A_468, %parallel_loop3A_469] {strides = array<i32>} : memref<2x3x128x128xf32, #tpu.memory_space<vmem>>, vector<1x1x1x16xf32>,
      %parallel_loop3A_471 = vector.shape_cast %parallel_loop3A_470 : vector<1x1x1x16xf32> to vector<16xf32>
      %parallel_loop3A_472 = arith.addf %parallel_loop3A_463, %parallel_loop3A_471 : vector<16xf32>
      %parallel_loop3A_473 = arith.constant 0 : i32
      %parallel_loop3A_474 = arith.constant 0 : i32
      %parallel_loop3A_475 = arith.index_cast %parallel_loop3A_473 : i32 to index
      %parallel_loop3A_476 = arith.index_cast %parallel_loop3A_474 : i32 to index
      %parallel_loop3A_477 = arith.index_cast %parallel_loop3A_455 : i32 to index
      %parallel_loop3A_478 = arith.constant 0 : index
      %parallel_loop3A_479 = tpu.vector_load %arg7[%parallel_loop3A_475, %parallel_loop3A_476, %parallel_loop3A_477, %parallel_loop3A_478] {strides = array<i32>} : memref<2x3x128x128xf32, #tpu.memory_space<vmem>>, vector<1x1x1x16xf32>,
      %parallel_loop3A_480 = vector.shape_cast %parallel_loop3A_479 : vector<1x1x1x16xf32> to vector<16xf32>
      %parallel_loop3A_481 = vector.shape_cast %parallel_loop3A_472 : vector<16xf32> to vector<1x1x1x16xf32>
      tpu.vector_store %arg7[%parallel_loop3A_475, %parallel_loop3A_476, %parallel_loop3A_477, %parallel_loop3A_478], %parallel_loop3A_481 {add = true, strides = array<i32>} : memref<2x3x128x128xf32, #tpu.memory_space<vmem>>, vector<1x1x1x16xf32>,
      %parallel_loop3A_482 = arith.constant 0 : i32
      %parallel_loop3A_483 = arith.constant 1 : i32
      %parallel_loop3A_484 = arith.index_cast %parallel_loop3A_482 : i32 to index
      %parallel_loop3A_485 = arith.index_cast %parallel_loop3A_483 : i32 to index
      %parallel_loop3A_486 = arith.index_cast %parallel_loop3A_455 : i32 to index
      %parallel_loop3A_487 = arith.constant 16 : index
      %parallel_loop3A_488 = tpu.vector_load %arg7[%parallel_loop3A_484, %parallel_loop3A_485, %parallel_loop3A_486, %parallel_loop3A_487] {strides = array<i32>} : memref<2x3x128x128xf32, #tpu.memory_space<vmem>>, vector<1x1x1x16xf32>,
      %parallel_loop3A_489 = vector.shape_cast %parallel_loop3A_488 : vector<1x1x1x16xf32> to vector<16xf32>
      %parallel_loop3A_490 = arith.constant 0 : i32
      %parallel_loop3A_491 = arith.constant 2 : i32
      %parallel_loop3A_492 = arith.index_cast %parallel_loop3A_490 : i32 to index
      %parallel_loop3A_493 = arith.index_cast %parallel_loop3A_491 : i32 to index
      %parallel_loop3A_494 = arith.index_cast %parallel_loop3A_455 : i32 to index
      %parallel_loop3A_495 = arith.constant 16 : index
      %parallel_loop3A_496 = tpu.vector_load %arg7[%parallel_loop3A_492, %parallel_loop3A_493, %parallel_loop3A_494, %parallel_loop3A_495] {strides = array<i32>} : memref<2x3x128x128xf32, #tpu.memory_space<vmem>>, vector<1x1x1x16xf32>,
      %parallel_loop3A_497 = vector.shape_cast %parallel_loop3A_496 : vector<1x1x1x16xf32> to vector<16xf32>
      %parallel_loop3A_498 = arith.addf %parallel_loop3A_489, %parallel_loop3A_497 : vector<16xf32>
      %parallel_loop3A_499 = arith.constant 0 : i32
      %parallel_loop3A_500 = arith.constant 0 : i32
      %parallel_loop3A_501 = arith.index_cast %parallel_loop3A_499 : i32 to index
      %parallel_loop3A_502 = arith.index_cast %parallel_loop3A_500 : i32 to index
      %parallel_loop3A_503 = arith.index_cast %parallel_loop3A_455 : i32 to index
      %parallel_loop3A_504 = arith.constant 16 : index
      %parallel_loop3A_505 = tpu.vector_load %arg7[%parallel_loop3A_501, %parallel_loop3A_502, %parallel_loop3A_503, %parallel_loop3A_504] {strides = array<i32>} : memref<2x3x128x128xf32, #tpu.memory_space<vmem>>, vector<1x1x1x16xf32>,
      %parallel_loop3A_506 = vector.shape_cast %parallel_loop3A_505 : vector<1x1x1x16xf32> to vector<16xf32>
      %parallel_loop3A_507 = vector.shape_cast %parallel_loop3A_498 : vector<16xf32> to vector<1x1x1x16xf32>
      tpu.vector_store %arg7[%parallel_loop3A_501, %parallel_loop3A_502, %parallel_loop3A_503, %parallel_loop3A_504], %parallel_loop3A_507 {add = true, strides = array<i32>} : memref<2x3x128x128xf32, #tpu.memory_space<vmem>>, vector<1x1x1x16xf32>,
      %parallel_loop3A_508 = arith.constant 0 : i32
      %parallel_loop3A_509 = arith.constant 1 : i32
      %parallel_loop3A_510 = arith.index_cast %parallel_loop3A_508 : i32 to index
      %parallel_loop3A_511 = arith.index_cast %parallel_loop3A_509 : i32 to index
      %parallel_loop3A_512 = arith.index_cast %parallel_loop3A_455 : i32 to index
      %parallel_loop3A_513 = arith.constant 32 : index
      %parallel_loop3A_514 = tpu.vector_load %arg7[%parallel_loop3A_510, %parallel_loop3A_511, %parallel_loop3A_512, %parallel_loop3A_513] {strides = array<i32>} : memref<2x3x128x128xf32, #tpu.memory_space<vmem>>, vector<1x1x1x16xf32>,
      %parallel_loop3A_515 = vector.shape_cast %parallel_loop3A_514 : vector<1x1x1x16xf32> to vector<16xf32>
      %parallel_loop3A_516 = arith.constant 0 : i32
      %parallel_loop3A_517 = arith.constant 2 : i32
      %parallel_loop3A_518 = arith.index_cast %parallel_loop3A_516 : i32 to index
      %parallel_loop3A_519 = arith.index_cast %parallel_loop3A_517 : i32 to index
      %parallel_loop3A_520 = arith.index_cast %parallel_loop3A_455 : i32 to index
      %parallel_loop3A_521 = arith.constant 32 : index
      %parallel_loop3A_522 = tpu.vector_load %arg7[%parallel_loop3A_518, %parallel_loop3A_519, %parallel_loop3A_520, %parallel_loop3A_521] {strides = array<i32>} : memref<2x3x128x128xf32, #tpu.memory_space<vmem>>, vector<1x1x1x16xf32>,
      %parallel_loop3A_523 = vector.shape_cast %parallel_loop3A_522 : vector<1x1x1x16xf32> to vector<16xf32>
      %parallel_loop3A_524 = arith.addf %parallel_loop3A_515, %parallel_loop3A_523 : vector<16xf32>
      %parallel_loop3A_525 = arith.constant 0 : i32
      %parallel_loop3A_526 = arith.constant 0 : i32
      %parallel_loop3A_527 = arith.index_cast %parallel_loop3A_525 : i32 to index
      %parallel_loop3A_528 = arith.index_cast %parallel_loop3A_526 : i32 to index
      %parallel_loop3A_529 = arith.index_cast %parallel_loop3A_455 : i32 to index
      %parallel_loop3A_530 = arith.constant 32 : index
      %parallel_loop3A_531 = tpu.vector_load %arg7[%parallel_loop3A_527, %parallel_loop3A_528, %parallel_loop3A_529, %parallel_loop3A_530] {strides = array<i32>} : memref<2x3x128x128xf32, #tpu.memory_space<vmem>>, vector<1x1x1x16xf32>,
      %parallel_loop3A_532 = vector.shape_cast %parallel_loop3A_531 : vector<1x1x1x16xf32> to vector<16xf32>
      %parallel_loop3A_533 = vector.shape_cast %parallel_loop3A_524 : vector<16xf32> to vector<1x1x1x16xf32>
      tpu.vector_store %arg7[%parallel_loop3A_527, %parallel_loop3A_528, %parallel_loop3A_529, %parallel_loop3A_530], %parallel_loop3A_533 {add = true, strides = array<i32>} : memref<2x3x128x128xf32, #tpu.memory_space<vmem>>, vector<1x1x1x16xf32>,
      %parallel_loop3A_534 = arith.constant 0 : i32
      %parallel_loop3A_535 = arith.constant 1 : i32
      %parallel_loop3A_536 = arith.index_cast %parallel_loop3A_534 : i32 to index
      %parallel_loop3A_537 = arith.index_cast %parallel_loop3A_535 : i32 to index
      %parallel_loop3A_538 = arith.index_cast %parallel_loop3A_455 : i32 to index
      %parallel_loop3A_539 = arith.constant 48 : index
      %parallel_loop3A_540 = tpu.vector_load %arg7[%parallel_loop3A_536, %parallel_loop3A_537, %parallel_loop3A_538, %parallel_loop3A_539] {strides = array<i32>} : memref<2x3x128x128xf32, #tpu.memory_space<vmem>>, vector<1x1x1x16xf32>,
      %parallel_loop3A_541 = vector.shape_cast %parallel_loop3A_540 : vector<1x1x1x16xf32> to vector<16xf32>
      %parallel_loop3A_542 = arith.constant 0 : i32
      %parallel_loop3A_543 = arith.constant 2 : i32
      %parallel_loop3A_544 = arith.index_cast %parallel_loop3A_542 : i32 to index
      %parallel_loop3A_545 = arith.index_cast %parallel_loop3A_543 : i32 to index
      %parallel_loop3A_546 = arith.index_cast %parallel_loop3A_455 : i32 to index
      %parallel_loop3A_547 = arith.constant 48 : index
      %parallel_loop3A_548 = tpu.vector_load %arg7[%parallel_loop3A_544, %parallel_loop3A_545, %parallel_loop3A_546, %parallel_loop3A_547] {strides = array<i32>} : memref<2x3x128x128xf32, #tpu.memory_space<vmem>>, vector<1x1x1x16xf32>,
      %parallel_loop3A_549 = vector.shape_cast %parallel_loop3A_548 : vector<1x1x1x16xf32> to vector<16xf32>
      %parallel_loop3A_550 = arith.addf %parallel_loop3A_541, %parallel_loop3A_549 : vector<16xf32>
      %parallel_loop3A_551 = arith.constant 0 : i32
      %parallel_loop3A_552 = arith.constant 0 : i32
      %parallel_loop3A_553 = arith.index_cast %parallel_loop3A_551 : i32 to index
      %parallel_loop3A_554 = arith.index_cast %parallel_loop3A_552 : i32 to index
      %parallel_loop3A_555 = arith.index_cast %parallel_loop3A_455 : i32 to index
      %parallel_loop3A_556 = arith.constant 48 : index
      %parallel_loop3A_557 = tpu.vector_load %arg7[%parallel_loop3A_553, %parallel_loop3A_554, %parallel_loop3A_555, %parallel_loop3A_556] {strides = array<i32>} : memref<2x3x128x128xf32, #tpu.memory_space<vmem>>, vector<1x1x1x16xf32>,
      %parallel_loop3A_558 = vector.shape_cast %parallel_loop3A_557 : vector<1x1x1x16xf32> to vector<16xf32>
      %parallel_loop3A_559 = vector.shape_cast %parallel_loop3A_550 : vector<16xf32> to vector<1x1x1x16xf32>
      tpu.vector_store %arg7[%parallel_loop3A_553, %parallel_loop3A_554, %parallel_loop3A_555, %parallel_loop3A_556], %parallel_loop3A_559 {add = true, strides = array<i32>} : memref<2x3x128x128xf32, #tpu.memory_space<vmem>>, vector<1x1x1x16xf32>,
      %parallel_loop3A_560 = arith.constant 0 : i32
      %parallel_loop3A_561 = arith.constant 1 : i32
      %parallel_loop3A_562 = arith.index_cast %parallel_loop3A_560 : i32 to index
      %parallel_loop3A_563 = arith.index_cast %parallel_loop3A_561 : i32 to index
      %parallel_loop3A_564 = arith.index_cast %parallel_loop3A_455 : i32 to index
      %parallel_loop3A_565 = arith.constant 64 : index
      %parallel_loop3A_566 = tpu.vector_load %arg7[%parallel_loop3A_562, %parallel_loop3A_563, %parallel_loop3A_564, %parallel_loop3A_565] {strides = array<i32>} : memref<2x3x128x128xf32, #tpu.memory_space<vmem>>, vector<1x1x1x16xf32>,
      %parallel_loop3A_567 = vector.shape_cast %parallel_loop3A_566 : vector<1x1x1x16xf32> to vector<16xf32>
      %parallel_loop3A_568 = arith.constant 0 : i32
      %parallel_loop3A_569 = arith.constant 2 : i32
      %parallel_loop3A_570 = arith.index_cast %parallel_loop3A_568 : i32 to index
      %parallel_loop3A_571 = arith.index_cast %parallel_loop3A_569 : i32 to index
      %parallel_loop3A_572 = arith.index_cast %parallel_loop3A_455 : i32 to index
      %parallel_loop3A_573 = arith.constant 64 : index
      %parallel_loop3A_574 = tpu.vector_load %arg7[%parallel_loop3A_570, %parallel_loop3A_571, %parallel_loop3A_572, %parallel_loop3A_573] {strides = array<i32>} : memref<2x3x128x128xf32, #tpu.memory_space<vmem>>, vector<1x1x1x16xf32>,
      %parallel_loop3A_575 = vector.shape_cast %parallel_loop3A_574 : vector<1x1x1x16xf32> to vector<16xf32>
      %parallel_loop3A_576 = arith.addf %parallel_loop3A_567, %parallel_loop3A_575 : vector<16xf32>
      %parallel_loop3A_577 = arith.constant 0 : i32
      %parallel_loop3A_578 = arith.constant 0 : i32
      %parallel_loop3A_579 = arith.index_cast %parallel_loop3A_577 : i32 to index
      %parallel_loop3A_580 = arith.index_cast %parallel_loop3A_578 : i32 to index
      %parallel_loop3A_581 = arith.index_cast %parallel_loop3A_455 : i32 to index
      %parallel_loop3A_582 = arith.constant 64 : index
      %parallel_loop3A_583 = tpu.vector_load %arg7[%parallel_loop3A_579, %parallel_loop3A_580, %parallel_loop3A_581, %parallel_loop3A_582] {strides = array<i32>} : memref<2x3x128x128xf32, #tpu.memory_space<vmem>>, vector<1x1x1x16xf32>,
      %parallel_loop3A_584 = vector.shape_cast %parallel_loop3A_583 : vector<1x1x1x16xf32> to vector<16xf32>
      %parallel_loop3A_585 = vector.shape_cast %parallel_loop3A_576 : vector<16xf32> to vector<1x1x1x16xf32>
      tpu.vector_store %arg7[%parallel_loop3A_579, %parallel_loop3A_580, %parallel_loop3A_581, %parallel_loop3A_582], %parallel_loop3A_585 {add = true, strides = array<i32>} : memref<2x3x128x128xf32, #tpu.memory_space<vmem>>, vector<1x1x1x16xf32>,
      %parallel_loop3A_586 = arith.constant 0 : i32
      %parallel_loop3A_587 = arith.constant 1 : i32
      %parallel_loop3A_588 = arith.index_cast %parallel_loop3A_586 : i32 to index
      %parallel_loop3A_589 = arith.index_cast %parallel_loop3A_587 : i32 to index
      %parallel_loop3A_590 = arith.index_cast %parallel_loop3A_455 : i32 to index
      %parallel_loop3A_591 = arith.constant 80 : index
      %parallel_loop3A_592 = tpu.vector_load %arg7[%parallel_loop3A_588, %parallel_loop3A_589, %parallel_loop3A_590, %parallel_loop3A_591] {strides = array<i32>} : memref<2x3x128x128xf32, #tpu.memory_space<vmem>>, vector<1x1x1x16xf32>,
      %parallel_loop3A_593 = vector.shape_cast %parallel_loop3A_592 : vector<1x1x1x16xf32> to vector<16xf32>
      %parallel_loop3A_594 = arith.constant 0 : i32
      %parallel_loop3A_595 = arith.constant 2 : i32
      %parallel_loop3A_596 = arith.index_cast %parallel_loop3A_594 : i32 to index
      %parallel_loop3A_597 = arith.index_cast %parallel_loop3A_595 : i32 to index
      %parallel_loop3A_598 = arith.index_cast %parallel_loop3A_455 : i32 to index
      %parallel_loop3A_599 = arith.constant 80 : index
      %parallel_loop3A_600 = tpu.vector_load %arg7[%parallel_loop3A_596, %parallel_loop3A_597, %parallel_loop3A_598, %parallel_loop3A_599] {strides = array<i32>} : memref<2x3x128x128xf32, #tpu.memory_space<vmem>>, vector<1x1x1x16xf32>,
      %parallel_loop3A_601 = vector.shape_cast %parallel_loop3A_600 : vector<1x1x1x16xf32> to vector<16xf32>
      %parallel_loop3A_602 = arith.addf %parallel_loop3A_593, %parallel_loop3A_601 : vector<16xf32>
      %parallel_loop3A_603 = arith.constant 0 : i32
      %parallel_loop3A_604 = arith.constant 0 : i32
      %parallel_loop3A_605 = arith.index_cast %parallel_loop3A_603 : i32 to index
      %parallel_loop3A_606 = arith.index_cast %parallel_loop3A_604 : i32 to index
      %parallel_loop3A_607 = arith.index_cast %parallel_loop3A_455 : i32 to index
      %parallel_loop3A_608 = arith.constant 80 : index
      %parallel_loop3A_609 = tpu.vector_load %arg7[%parallel_loop3A_605, %parallel_loop3A_606, %parallel_loop3A_607, %parallel_loop3A_608] {strides = array<i32>} : memref<2x3x128x128xf32, #tpu.memory_space<vmem>>, vector<1x1x1x16xf32>,
      %parallel_loop3A_610 = vector.shape_cast %parallel_loop3A_609 : vector<1x1x1x16xf32> to vector<16xf32>
      %parallel_loop3A_611 = vector.shape_cast %parallel_loop3A_602 : vector<16xf32> to vector<1x1x1x16xf32>
      tpu.vector_store %arg7[%parallel_loop3A_605, %parallel_loop3A_606, %parallel_loop3A_607, %parallel_loop3A_608], %parallel_loop3A_611 {add = true, strides = array<i32>} : memref<2x3x128x128xf32, #tpu.memory_space<vmem>>, vector<1x1x1x16xf32>,
      %parallel_loop3A_612 = arith.constant 0 : i32
      %parallel_loop3A_613 = arith.constant 1 : i32
      %parallel_loop3A_614 = arith.index_cast %parallel_loop3A_612 : i32 to index
      %parallel_loop3A_615 = arith.index_cast %parallel_loop3A_613 : i32 to index
      %parallel_loop3A_616 = arith.index_cast %parallel_loop3A_455 : i32 to index
      %parallel_loop3A_617 = arith.constant 96 : index
      %parallel_loop3A_618 = tpu.vector_load %arg7[%parallel_loop3A_614, %parallel_loop3A_615, %parallel_loop3A_616, %parallel_loop3A_617] {strides = array<i32>} : memref<2x3x128x128xf32, #tpu.memory_space<vmem>>, vector<1x1x1x16xf32>,
      %parallel_loop3A_619 = vector.shape_cast %parallel_loop3A_618 : vector<1x1x1x16xf32> to vector<16xf32>
      %parallel_loop3A_620 = arith.constant 0 : i32
      %parallel_loop3A_621 = arith.constant 2 : i32
      %parallel_loop3A_622 = arith.index_cast %parallel_loop3A_620 : i32 to index
      %parallel_loop3A_623 = arith.index_cast %parallel_loop3A_621 : i32 to index
      %parallel_loop3A_624 = arith.index_cast %parallel_loop3A_455 : i32 to index
      %parallel_loop3A_625 = arith.constant 96 : index
      %parallel_loop3A_626 = tpu.vector_load %arg7[%parallel_loop3A_622, %parallel_loop3A_623, %parallel_loop3A_624, %parallel_loop3A_625] {strides = array<i32>} : memref<2x3x128x128xf32, #tpu.memory_space<vmem>>, vector<1x1x1x16xf32>,
      %parallel_loop3A_627 = vector.shape_cast %parallel_loop3A_626 : vector<1x1x1x16xf32> to vector<16xf32>
      %parallel_loop3A_628 = arith.addf %parallel_loop3A_619, %parallel_loop3A_627 : vector<16xf32>
      %parallel_loop3A_629 = arith.constant 0 : i32
      %parallel_loop3A_630 = arith.constant 0 : i32
      %parallel_loop3A_631 = arith.index_cast %parallel_loop3A_629 : i32 to index
      %parallel_loop3A_632 = arith.index_cast %parallel_loop3A_630 : i32 to index
      %parallel_loop3A_633 = arith.index_cast %parallel_loop3A_455 : i32 to index
      %parallel_loop3A_634 = arith.constant 96 : index
      %parallel_loop3A_635 = tpu.vector_load %arg7[%parallel_loop3A_631, %parallel_loop3A_632, %parallel_loop3A_633, %parallel_loop3A_634] {strides = array<i32>} : memref<2x3x128x128xf32, #tpu.memory_space<vmem>>, vector<1x1x1x16xf32>,
      %parallel_loop3A_636 = vector.shape_cast %parallel_loop3A_635 : vector<1x1x1x16xf32> to vector<16xf32>
      %parallel_loop3A_637 = vector.shape_cast %parallel_loop3A_628 : vector<16xf32> to vector<1x1x1x16xf32>
      tpu.vector_store %arg7[%parallel_loop3A_631, %parallel_loop3A_632, %parallel_loop3A_633, %parallel_loop3A_634], %parallel_loop3A_637 {add = true, strides = array<i32>} : memref<2x3x128x128xf32, #tpu.memory_space<vmem>>, vector<1x1x1x16xf32>,
      %parallel_loop3A_638 = arith.constant 0 : i32
      %parallel_loop3A_639 = arith.constant 1 : i32
      %parallel_loop3A_640 = arith.index_cast %parallel_loop3A_638 : i32 to index
      %parallel_loop3A_641 = arith.index_cast %parallel_loop3A_639 : i32 to index
      %parallel_loop3A_642 = arith.index_cast %parallel_loop3A_455 : i32 to index
      %parallel_loop3A_643 = arith.constant 112 : index
      %parallel_loop3A_644 = tpu.vector_load %arg7[%parallel_loop3A_640, %parallel_loop3A_641, %parallel_loop3A_642, %parallel_loop3A_643] {strides = array<i32>} : memref<2x3x128x128xf32, #tpu.memory_space<vmem>>, vector<1x1x1x16xf32>,
      %parallel_loop3A_645 = vector.shape_cast %parallel_loop3A_644 : vector<1x1x1x16xf32> to vector<16xf32>
      %parallel_loop3A_646 = arith.constant 0 : i32
      %parallel_loop3A_647 = arith.constant 2 : i32
      %parallel_loop3A_648 = arith.index_cast %parallel_loop3A_646 : i32 to index
      %parallel_loop3A_649 = arith.index_cast %parallel_loop3A_647 : i32 to index
      %parallel_loop3A_650 = arith.index_cast %parallel_loop3A_455 : i32 to index
      %parallel_loop3A_651 = arith.constant 112 : index
      %parallel_loop3A_652 = tpu.vector_load %arg7[%parallel_loop3A_648, %parallel_loop3A_649, %parallel_loop3A_650, %parallel_loop3A_651] {strides = array<i32>} : memref<2x3x128x128xf32, #tpu.memory_space<vmem>>, vector<1x1x1x16xf32>,
      %parallel_loop3A_653 = vector.shape_cast %parallel_loop3A_652 : vector<1x1x1x16xf32> to vector<16xf32>
      %parallel_loop3A_654 = arith.addf %parallel_loop3A_645, %parallel_loop3A_653 : vector<16xf32>
      %parallel_loop3A_655 = arith.constant 0 : i32
      %parallel_loop3A_656 = arith.constant 0 : i32
      %parallel_loop3A_657 = arith.index_cast %parallel_loop3A_655 : i32 to index
      %parallel_loop3A_658 = arith.index_cast %parallel_loop3A_656 : i32 to index
      %parallel_loop3A_659 = arith.index_cast %parallel_loop3A_455 : i32 to index
      %parallel_loop3A_660 = arith.constant 112 : index
      %parallel_loop3A_661 = tpu.vector_load %arg7[%parallel_loop3A_657, %parallel_loop3A_658, %parallel_loop3A_659, %parallel_loop3A_660] {strides = array<i32>} : memref<2x3x128x128xf32, #tpu.memory_space<vmem>>, vector<1x1x1x16xf32>,
      %parallel_loop3A_662 = vector.shape_cast %parallel_loop3A_661 : vector<1x1x1x16xf32> to vector<16xf32>
      %parallel_loop3A_663 = vector.shape_cast %parallel_loop3A_654 : vector<16xf32> to vector<1x1x1x16xf32>
      tpu.vector_store %arg7[%parallel_loop3A_657, %parallel_loop3A_658, %parallel_loop3A_659, %parallel_loop3A_660], %parallel_loop3A_663 {add = true, strides = array<i32>} : memref<2x3x128x128xf32, #tpu.memory_space<vmem>>, vector<1x1x1x16xf32>,
    } {sc.loop_unroll_factor = 1 : i64, sc.parallel_access}
    %mul3A_349 = arith.constant 512 : i32
    %mul3A_350 = arith.muli %add3A, %mul3A_349 : i32
    %add3A_351 = arith.constant 256 : i32
    %add3A_352 = arith.addi %mul3A_350, %add3A_351 : i32
    %dma_start3A_353 = arith.constant 0 : i32
    %dma_start3A_354 = arith.constant 0 : i32
    %dma_start3A_355 = arith.constant 0 : i32
    %dma_start3A_356 = arith.constant 0 : i32
    %dma_start3A_357 = tpu.memref_slice %arg7[%dma_start3A_353, %dma_start3A_354, %dma_start3A_355, %dma_start3A_356] : memref<2x3x128x128xf32, #tpu.memory_space<vmem>> -> memref<1x1x128x128xf32, #tpu.memory_space<vmem>>
    %dma_start3A_358 = tpu.memref_squeeze %dma_start3A_357 : memref<1x1x128x128xf32, #tpu.memory_space<vmem>> -> memref<128x128xf32, #tpu.memory_space<vmem>>
    %dma_start3A_359 = arith.constant 0 : i32
    %dma_start3A_360 = tpu.memref_slice %arg4[%add3A_352, %dma_start3A_359] : memref<16384x128xf32, #tpu.memory_space<hbm>> -> memref<128x128xf32, #tpu.memory_space<hbm>>
    %dma_start3A_361 = arith.constant 0 : i32
    %dma_start3A_362 = tpu.memref_slice %arg4[%add3A_352, %dma_start3A_361] : memref<16384x128xf32, #tpu.memory_space<hbm>> -> memref<128x128xf32, #tpu.memory_space<hbm>>
    %dma_start3A_363 = arith.constant 0 : i32
    %dma_start3A_364 = arith.constant 0 : i32
    %dma_start3A_365 = tpu.memref_slice %arg7[%dma_start3A_353, %dma_start3A_354, %dma_start3A_363, %dma_start3A_364] : memref<2x3x128x128xf32, #tpu.memory_space<vmem>> -> memref<1x1x128x128xf32, #tpu.memory_space<vmem>>
    %dma_start3A_366 = tpu.memref_squeeze %dma_start3A_365 : memref<1x1x128x128xf32, #tpu.memory_space<vmem>> -> memref<128x128xf32, #tpu.memory_space<vmem>>
    tpu.enqueue_dma source(%dma_start3A_366 : memref<128x128xf32, #tpu.memory_space<vmem>>) target(%dma_start3A_362 : memref<128x128xf32, #tpu.memory_space<hbm>>) target_semaphore(%arg10 : memref<!tpu.dma_semaphore, #tpu.memory_space<semaphore_mem>>)
    %dma_wait3A_367 = arith.constant 3 : i32
    %dma_wait3A_368 = arith.constant 1 : i32
    %dma_wait3A_369 = arith.constant 0 : i32
    %dma_wait3A_370 = arith.constant 0 : i32
    %dma_wait3A_371 = arith.constant 0 : i32
    %dma_wait3A_372 = tpu.memref_slice %arg7[%dma_wait3A_368, %dma_wait3A_369, %dma_wait3A_370, %dma_wait3A_371] : memref<2x3x128x128xf32, #tpu.memory_space<vmem>> -> memref<1x1x128x128xf32, #tpu.memory_space<vmem>>
    %dma_wait3A_373 = tpu.memref_squeeze %dma_wait3A_372 : memref<1x1x128x128xf32, #tpu.memory_space<vmem>> -> memref<128x128xf32, #tpu.memory_space<vmem>>
    %dma_wait3A_374 = arith.constant 0 : i32
    %dma_wait3A_375 = tpu.memref_slice %arg6[%dma_wait3A_367, %dma_wait3A_374] : memref<12x128xi32, #tpu.memory_space<vmem>> -> memref<1x128xi32, #tpu.memory_space<vmem>>
    %dma_wait3A_376 = tpu.memref_squeeze %dma_wait3A_375 : memref<1x128xi32, #tpu.memory_space<vmem>> -> memref<128xi32, #tpu.memory_space<vmem>>
    %dma_wait3A_377 = arith.constant 0 : i32
    %dma_wait3A_378 = arith.constant 0 : i32
    %dma_wait3A_379 = tpu.memref_slice %arg2[%dma_wait3A_377, %dma_wait3A_378] : memref<10000x128xf32, #tpu.memory_space<hbm>> -> memref<10000x128xf32, #tpu.memory_space<hbm>>
    tpu.wait_indirect_dma semaphore(%arg9 : memref<!tpu.dma_semaphore, #tpu.memory_space<semaphore_mem>>) src(%dma_wait3A_379 : memref<10000x128xf32, #tpu.memory_space<hbm>>) dst(%dma_wait3A_373 : memref<128x128xf32, #tpu.memory_space<vmem>>)
    %dma_wait3A_380 = arith.constant 7 : i32
    %dma_wait3A_381 = arith.constant 1 : i32
    %dma_wait3A_382 = arith.constant 1 : i32
    %dma_wait3A_383 = arith.constant 0 : i32
    %dma_wait3A_384 = arith.constant 0 : i32
    %dma_wait3A_385 = tpu.memref_slice %arg7[%dma_wait3A_381, %dma_wait3A_382, %dma_wait3A_383, %dma_wait3A_384] : memref<2x3x128x128xf32, #tpu.memory_space<vmem>> -> memref<1x1x128x128xf32, #tpu.memory_space<vmem>>
    %dma_wait3A_386 = tpu.memref_squeeze %dma_wait3A_385 : memref<1x1x128x128xf32, #tpu.memory_space<vmem>> -> memref<128x128xf32, #tpu.memory_space<vmem>>
    %dma_wait3A_387 = arith.constant 0 : i32
    %dma_wait3A_388 = tpu.memref_slice %arg6[%dma_wait3A_380, %dma_wait3A_387] : memref<12x128xi32, #tpu.memory_space<vmem>> -> memref<1x128xi32, #tpu.memory_space<vmem>>
    %dma_wait3A_389 = tpu.memref_squeeze %dma_wait3A_388 : memref<1x128xi32, #tpu.memory_space<vmem>> -> memref<128xi32, #tpu.memory_space<vmem>>
    %dma_wait3A_390 = arith.constant 0 : i32
    %dma_wait3A_391 = arith.constant 0 : i32
    %dma_wait3A_392 = tpu.memref_slice %arg2[%dma_wait3A_390, %dma_wait3A_391] : memref<10000x128xf32, #tpu.memory_space<hbm>> -> memref<10000x128xf32, #tpu.memory_space<hbm>>
    tpu.wait_indirect_dma semaphore(%arg9 : memref<!tpu.dma_semaphore, #tpu.memory_space<semaphore_mem>>) src(%dma_wait3A_392 : memref<10000x128xf32, #tpu.memory_space<hbm>>) dst(%dma_wait3A_386 : memref<128x128xf32, #tpu.memory_space<vmem>>)
    %dma_wait3A_393 = arith.constant 11 : i32
    %dma_wait3A_394 = arith.constant 1 : i32
    %dma_wait3A_395 = arith.constant 2 : i32
    %dma_wait3A_396 = arith.constant 0 : i32
    %dma_wait3A_397 = arith.constant 0 : i32
    %dma_wait3A_398 = tpu.memref_slice %arg7[%dma_wait3A_394, %dma_wait3A_395, %dma_wait3A_396, %dma_wait3A_397] : memref<2x3x128x128xf32, #tpu.memory_space<vmem>> -> memref<1x1x128x128xf32, #tpu.memory_space<vmem>>
    %dma_wait3A_399 = tpu.memref_squeeze %dma_wait3A_398 : memref<1x1x128x128xf32, #tpu.memory_space<vmem>> -> memref<128x128xf32, #tpu.memory_space<vmem>>
    %dma_wait3A_400 = arith.constant 0 : i32
    %dma_wait3A_401 = tpu.memref_slice %arg6[%dma_wait3A_393, %dma_wait3A_400] : memref<12x128xi32, #tpu.memory_space<vmem>> -> memref<1x128xi32, #tpu.memory_space<vmem>>
    %dma_wait3A_402 = tpu.memref_squeeze %dma_wait3A_401 : memref<1x128xi32, #tpu.memory_space<vmem>> -> memref<128xi32, #tpu.memory_space<vmem>>
    %dma_wait3A_403 = arith.constant 0 : i32
    %dma_wait3A_404 = arith.constant 0 : i32
    %dma_wait3A_405 = tpu.memref_slice %arg2[%dma_wait3A_403, %dma_wait3A_404] : memref<10000x128xf32, #tpu.memory_space<hbm>> -> memref<10000x128xf32, #tpu.memory_space<hbm>>
    tpu.wait_indirect_dma semaphore(%arg9 : memref<!tpu.dma_semaphore, #tpu.memory_space<semaphore_mem>>) src(%dma_wait3A_405 : memref<10000x128xf32, #tpu.memory_space<hbm>>) dst(%dma_wait3A_399 : memref<128x128xf32, #tpu.memory_space<vmem>>)
    %parallel_loop3A_406 = arith.constant 0 : i32
    %parallel_loop3A_407 = arith.constant 128 : i32
    %parallel_loop3A_408 = arith.constant 1 : i32
    scf.for %parallel_loop3A_455 = %parallel_loop3A_406 to %parallel_loop3A_407 step %parallel_loop3A_408  : i32 {
      %parallel_loop3A_456 = arith.constant 1 : i32
      %parallel_loop3A_457 = arith.constant 1 : i32
      %parallel_loop3A_458 = arith.index_cast %parallel_loop3A_456 : i32 to index
      %parallel_loop3A_459 = arith.index_cast %parallel_loop3A_457 : i32 to index
      %parallel_loop3A_460 = arith.index_cast %parallel_loop3A_455 : i32 to index
      %parallel_loop3A_461 = arith.constant 0 : index
      %parallel_loop3A_462 = tpu.vector_load %arg7[%parallel_loop3A_458, %parallel_loop3A_459, %parallel_loop3A_460, %parallel_loop3A_461] {strides = array<i32>} : memref<2x3x128x128xf32, #tpu.memory_space<vmem>>, vector<1x1x1x16xf32>,
      %parallel_loop3A_463 = vector.shape_cast %parallel_loop3A_462 : vector<1x1x1x16xf32> to vector<16xf32>
      %parallel_loop3A_464 = arith.constant 1 : i32
      %parallel_loop3A_465 = arith.constant 2 : i32
      %parallel_loop3A_466 = arith.index_cast %parallel_loop3A_464 : i32 to index
      %parallel_loop3A_467 = arith.index_cast %parallel_loop3A_465 : i32 to index
      %parallel_loop3A_468 = arith.index_cast %parallel_loop3A_455 : i32 to index
      %parallel_loop3A_469 = arith.constant 0 : index
      %parallel_loop3A_470 = tpu.vector_load %arg7[%parallel_loop3A_466, %parallel_loop3A_467, %parallel_loop3A_468, %parallel_loop3A_469] {strides = array<i32>} : memref<2x3x128x128xf32, #tpu.memory_space<vmem>>, vector<1x1x1x16xf32>,
      %parallel_loop3A_471 = vector.shape_cast %parallel_loop3A_470 : vector<1x1x1x16xf32> to vector<16xf32>
      %parallel_loop3A_472 = arith.addf %parallel_loop3A_463, %parallel_loop3A_471 : vector<16xf32>
      %parallel_loop3A_473 = arith.constant 1 : i32
      %parallel_loop3A_474 = arith.constant 0 : i32
      %parallel_loop3A_475 = arith.index_cast %parallel_loop3A_473 : i32 to index
      %parallel_loop3A_476 = arith.index_cast %parallel_loop3A_474 : i32 to index
      %parallel_loop3A_477 = arith.index_cast %parallel_loop3A_455 : i32 to index
      %parallel_loop3A_478 = arith.constant 0 : index
      %parallel_loop3A_479 = tpu.vector_load %arg7[%parallel_loop3A_475, %parallel_loop3A_476, %parallel_loop3A_477, %parallel_loop3A_478] {strides = array<i32>} : memref<2x3x128x128xf32, #tpu.memory_space<vmem>>, vector<1x1x1x16xf32>,
      %parallel_loop3A_480 = vector.shape_cast %parallel_loop3A_479 : vector<1x1x1x16xf32> to vector<16xf32>
      %parallel_loop3A_481 = vector.shape_cast %parallel_loop3A_472 : vector<16xf32> to vector<1x1x1x16xf32>
      tpu.vector_store %arg7[%parallel_loop3A_475, %parallel_loop3A_476, %parallel_loop3A_477, %parallel_loop3A_478], %parallel_loop3A_481 {add = true, strides = array<i32>} : memref<2x3x128x128xf32, #tpu.memory_space<vmem>>, vector<1x1x1x16xf32>,
      %parallel_loop3A_482 = arith.constant 1 : i32
      %parallel_loop3A_483 = arith.constant 1 : i32
      %parallel_loop3A_484 = arith.index_cast %parallel_loop3A_482 : i32 to index
      %parallel_loop3A_485 = arith.index_cast %parallel_loop3A_483 : i32 to index
      %parallel_loop3A_486 = arith.index_cast %parallel_loop3A_455 : i32 to index
      %parallel_loop3A_487 = arith.constant 16 : index
      %parallel_loop3A_488 = tpu.vector_load %arg7[%parallel_loop3A_484, %parallel_loop3A_485, %parallel_loop3A_486, %parallel_loop3A_487] {strides = array<i32>} : memref<2x3x128x128xf32, #tpu.memory_space<vmem>>, vector<1x1x1x16xf32>,
      %parallel_loop3A_489 = vector.shape_cast %parallel_loop3A_488 : vector<1x1x1x16xf32> to vector<16xf32>
      %parallel_loop3A_490 = arith.constant 1 : i32
      %parallel_loop3A_491 = arith.constant 2 : i32
      %parallel_loop3A_492 = arith.index_cast %parallel_loop3A_490 : i32 to index
      %parallel_loop3A_493 = arith.index_cast %parallel_loop3A_491 : i32 to index
      %parallel_loop3A_494 = arith.index_cast %parallel_loop3A_455 : i32 to index
      %parallel_loop3A_495 = arith.constant 16 : index
      %parallel_loop3A_496 = tpu.vector_load %arg7[%parallel_loop3A_492, %parallel_loop3A_493, %parallel_loop3A_494, %parallel_loop3A_495] {strides = array<i32>} : memref<2x3x128x128xf32, #tpu.memory_space<vmem>>, vector<1x1x1x16xf32>,
      %parallel_loop3A_497 = vector.shape_cast %parallel_loop3A_496 : vector<1x1x1x16xf32> to vector<16xf32>
      %parallel_loop3A_498 = arith.addf %parallel_loop3A_489, %parallel_loop3A_497 : vector<16xf32>
      %parallel_loop3A_499 = arith.constant 1 : i32
      %parallel_loop3A_500 = arith.constant 0 : i32
      %parallel_loop3A_501 = arith.index_cast %parallel_loop3A_499 : i32 to index
      %parallel_loop3A_502 = arith.index_cast %parallel_loop3A_500 : i32 to index
      %parallel_loop3A_503 = arith.index_cast %parallel_loop3A_455 : i32 to index
      %parallel_loop3A_504 = arith.constant 16 : index
      %parallel_loop3A_505 = tpu.vector_load %arg7[%parallel_loop3A_501, %parallel_loop3A_502, %parallel_loop3A_503, %parallel_loop3A_504] {strides = array<i32>} : memref<2x3x128x128xf32, #tpu.memory_space<vmem>>, vector<1x1x1x16xf32>,
      %parallel_loop3A_506 = vector.shape_cast %parallel_loop3A_505 : vector<1x1x1x16xf32> to vector<16xf32>
      %parallel_loop3A_507 = vector.shape_cast %parallel_loop3A_498 : vector<16xf32> to vector<1x1x1x16xf32>
      tpu.vector_store %arg7[%parallel_loop3A_501, %parallel_loop3A_502, %parallel_loop3A_503, %parallel_loop3A_504], %parallel_loop3A_507 {add = true, strides = array<i32>} : memref<2x3x128x128xf32, #tpu.memory_space<vmem>>, vector<1x1x1x16xf32>,
      %parallel_loop3A_508 = arith.constant 1 : i32
      %parallel_loop3A_509 = arith.constant 1 : i32
      %parallel_loop3A_510 = arith.index_cast %parallel_loop3A_508 : i32 to index
      %parallel_loop3A_511 = arith.index_cast %parallel_loop3A_509 : i32 to index
      %parallel_loop3A_512 = arith.index_cast %parallel_loop3A_455 : i32 to index
      %parallel_loop3A_513 = arith.constant 32 : index
      %parallel_loop3A_514 = tpu.vector_load %arg7[%parallel_loop3A_510, %parallel_loop3A_511, %parallel_loop3A_512, %parallel_loop3A_513] {strides = array<i32>} : memref<2x3x128x128xf32, #tpu.memory_space<vmem>>, vector<1x1x1x16xf32>,
      %parallel_loop3A_515 = vector.shape_cast %parallel_loop3A_514 : vector<1x1x1x16xf32> to vector<16xf32>
      %parallel_loop3A_516 = arith.constant 1 : i32
      %parallel_loop3A_517 = arith.constant 2 : i32
      %parallel_loop3A_518 = arith.index_cast %parallel_loop3A_516 : i32 to index
      %parallel_loop3A_519 = arith.index_cast %parallel_loop3A_517 : i32 to index
      %parallel_loop3A_520 = arith.index_cast %parallel_loop3A_455 : i32 to index
      %parallel_loop3A_521 = arith.constant 32 : index
      %parallel_loop3A_522 = tpu.vector_load %arg7[%parallel_loop3A_518, %parallel_loop3A_519, %parallel_loop3A_520, %parallel_loop3A_521] {strides = array<i32>} : memref<2x3x128x128xf32, #tpu.memory_space<vmem>>, vector<1x1x1x16xf32>,
      %parallel_loop3A_523 = vector.shape_cast %parallel_loop3A_522 : vector<1x1x1x16xf32> to vector<16xf32>
      %parallel_loop3A_524 = arith.addf %parallel_loop3A_515, %parallel_loop3A_523 : vector<16xf32>
      %parallel_loop3A_525 = arith.constant 1 : i32
      %parallel_loop3A_526 = arith.constant 0 : i32
      %parallel_loop3A_527 = arith.index_cast %parallel_loop3A_525 : i32 to index
      %parallel_loop3A_528 = arith.index_cast %parallel_loop3A_526 : i32 to index
      %parallel_loop3A_529 = arith.index_cast %parallel_loop3A_455 : i32 to index
      %parallel_loop3A_530 = arith.constant 32 : index
      %parallel_loop3A_531 = tpu.vector_load %arg7[%parallel_loop3A_527, %parallel_loop3A_528, %parallel_loop3A_529, %parallel_loop3A_530] {strides = array<i32>} : memref<2x3x128x128xf32, #tpu.memory_space<vmem>>, vector<1x1x1x16xf32>,
      %parallel_loop3A_532 = vector.shape_cast %parallel_loop3A_531 : vector<1x1x1x16xf32> to vector<16xf32>
      %parallel_loop3A_533 = vector.shape_cast %parallel_loop3A_524 : vector<16xf32> to vector<1x1x1x16xf32>
      tpu.vector_store %arg7[%parallel_loop3A_527, %parallel_loop3A_528, %parallel_loop3A_529, %parallel_loop3A_530], %parallel_loop3A_533 {add = true, strides = array<i32>} : memref<2x3x128x128xf32, #tpu.memory_space<vmem>>, vector<1x1x1x16xf32>,
      %parallel_loop3A_534 = arith.constant 1 : i32
      %parallel_loop3A_535 = arith.constant 1 : i32
      %parallel_loop3A_536 = arith.index_cast %parallel_loop3A_534 : i32 to index
      %parallel_loop3A_537 = arith.index_cast %parallel_loop3A_535 : i32 to index
      %parallel_loop3A_538 = arith.index_cast %parallel_loop3A_455 : i32 to index
      %parallel_loop3A_539 = arith.constant 48 : index
      %parallel_loop3A_540 = tpu.vector_load %arg7[%parallel_loop3A_536, %parallel_loop3A_537, %parallel_loop3A_538, %parallel_loop3A_539] {strides = array<i32>} : memref<2x3x128x128xf32, #tpu.memory_space<vmem>>, vector<1x1x1x16xf32>,
      %parallel_loop3A_541 = vector.shape_cast %parallel_loop3A_540 : vector<1x1x1x16xf32> to vector<16xf32>
      %parallel_loop3A_542 = arith.constant 1 : i32
      %parallel_loop3A_543 = arith.constant 2 : i32
      %parallel_loop3A_544 = arith.index_cast %parallel_loop3A_542 : i32 to index
      %parallel_loop3A_545 = arith.index_cast %parallel_loop3A_543 : i32 to index
      %parallel_loop3A_546 = arith.index_cast %parallel_loop3A_455 : i32 to index
      %parallel_loop3A_547 = arith.constant 48 : index
      %parallel_loop3A_548 = tpu.vector_load %arg7[%parallel_loop3A_544, %parallel_loop3A_545, %parallel_loop3A_546, %parallel_loop3A_547] {strides = array<i32>} : memref<2x3x128x128xf32, #tpu.memory_space<vmem>>, vector<1x1x1x16xf32>,
      %parallel_loop3A_549 = vector.shape_cast %parallel_loop3A_548 : vector<1x1x1x16xf32> to vector<16xf32>
      %parallel_loop3A_550 = arith.addf %parallel_loop3A_541, %parallel_loop3A_549 : vector<16xf32>
      %parallel_loop3A_551 = arith.constant 1 : i32
      %parallel_loop3A_552 = arith.constant 0 : i32
      %parallel_loop3A_553 = arith.index_cast %parallel_loop3A_551 : i32 to index
      %parallel_loop3A_554 = arith.index_cast %parallel_loop3A_552 : i32 to index
      %parallel_loop3A_555 = arith.index_cast %parallel_loop3A_455 : i32 to index
      %parallel_loop3A_556 = arith.constant 48 : index
      %parallel_loop3A_557 = tpu.vector_load %arg7[%parallel_loop3A_553, %parallel_loop3A_554, %parallel_loop3A_555, %parallel_loop3A_556] {strides = array<i32>} : memref<2x3x128x128xf32, #tpu.memory_space<vmem>>, vector<1x1x1x16xf32>,
      %parallel_loop3A_558 = vector.shape_cast %parallel_loop3A_557 : vector<1x1x1x16xf32> to vector<16xf32>
      %parallel_loop3A_559 = vector.shape_cast %parallel_loop3A_550 : vector<16xf32> to vector<1x1x1x16xf32>
      tpu.vector_store %arg7[%parallel_loop3A_553, %parallel_loop3A_554, %parallel_loop3A_555, %parallel_loop3A_556], %parallel_loop3A_559 {add = true, strides = array<i32>} : memref<2x3x128x128xf32, #tpu.memory_space<vmem>>, vector<1x1x1x16xf32>,
      %parallel_loop3A_560 = arith.constant 1 : i32
      %parallel_loop3A_561 = arith.constant 1 : i32
      %parallel_loop3A_562 = arith.index_cast %parallel_loop3A_560 : i32 to index
      %parallel_loop3A_563 = arith.index_cast %parallel_loop3A_561 : i32 to index
      %parallel_loop3A_564 = arith.index_cast %parallel_loop3A_455 : i32 to index
      %parallel_loop3A_565 = arith.constant 64 : index
      %parallel_loop3A_566 = tpu.vector_load %arg7[%parallel_loop3A_562, %parallel_loop3A_563, %parallel_loop3A_564, %parallel_loop3A_565] {strides = array<i32>} : memref<2x3x128x128xf32, #tpu.memory_space<vmem>>, vector<1x1x1x16xf32>,
      %parallel_loop3A_567 = vector.shape_cast %parallel_loop3A_566 : vector<1x1x1x16xf32> to vector<16xf32>
      %parallel_loop3A_568 = arith.constant 1 : i32
      %parallel_loop3A_569 = arith.constant 2 : i32
      %parallel_loop3A_570 = arith.index_cast %parallel_loop3A_568 : i32 to index
      %parallel_loop3A_571 = arith.index_cast %parallel_loop3A_569 : i32 to index
      %parallel_loop3A_572 = arith.index_cast %parallel_loop3A_455 : i32 to index
      %parallel_loop3A_573 = arith.constant 64 : index
      %parallel_loop3A_574 = tpu.vector_load %arg7[%parallel_loop3A_570, %parallel_loop3A_571, %parallel_loop3A_572, %parallel_loop3A_573] {strides = array<i32>} : memref<2x3x128x128xf32, #tpu.memory_space<vmem>>, vector<1x1x1x16xf32>,
      %parallel_loop3A_575 = vector.shape_cast %parallel_loop3A_574 : vector<1x1x1x16xf32> to vector<16xf32>
      %parallel_loop3A_576 = arith.addf %parallel_loop3A_567, %parallel_loop3A_575 : vector<16xf32>
      %parallel_loop3A_577 = arith.constant 1 : i32
      %parallel_loop3A_578 = arith.constant 0 : i32
      %parallel_loop3A_579 = arith.index_cast %parallel_loop3A_577 : i32 to index
      %parallel_loop3A_580 = arith.index_cast %parallel_loop3A_578 : i32 to index
      %parallel_loop3A_581 = arith.index_cast %parallel_loop3A_455 : i32 to index
      %parallel_loop3A_582 = arith.constant 64 : index
      %parallel_loop3A_583 = tpu.vector_load %arg7[%parallel_loop3A_579, %parallel_loop3A_580, %parallel_loop3A_581, %parallel_loop3A_582] {strides = array<i32>} : memref<2x3x128x128xf32, #tpu.memory_space<vmem>>, vector<1x1x1x16xf32>,
      %parallel_loop3A_584 = vector.shape_cast %parallel_loop3A_583 : vector<1x1x1x16xf32> to vector<16xf32>
      %parallel_loop3A_585 = vector.shape_cast %parallel_loop3A_576 : vector<16xf32> to vector<1x1x1x16xf32>
      tpu.vector_store %arg7[%parallel_loop3A_579, %parallel_loop3A_580, %parallel_loop3A_581, %parallel_loop3A_582], %parallel_loop3A_585 {add = true, strides = array<i32>} : memref<2x3x128x128xf32, #tpu.memory_space<vmem>>, vector<1x1x1x16xf32>,
      %parallel_loop3A_586 = arith.constant 1 : i32
      %parallel_loop3A_587 = arith.constant 1 : i32
      %parallel_loop3A_588 = arith.index_cast %parallel_loop3A_586 : i32 to index
      %parallel_loop3A_589 = arith.index_cast %parallel_loop3A_587 : i32 to index
      %parallel_loop3A_590 = arith.index_cast %parallel_loop3A_455 : i32 to index
      %parallel_loop3A_591 = arith.constant 80 : index
      %parallel_loop3A_592 = tpu.vector_load %arg7[%parallel_loop3A_588, %parallel_loop3A_589, %parallel_loop3A_590, %parallel_loop3A_591] {strides = array<i32>} : memref<2x3x128x128xf32, #tpu.memory_space<vmem>>, vector<1x1x1x16xf32>,
      %parallel_loop3A_593 = vector.shape_cast %parallel_loop3A_592 : vector<1x1x1x16xf32> to vector<16xf32>
      %parallel_loop3A_594 = arith.constant 1 : i32
      %parallel_loop3A_595 = arith.constant 2 : i32
      %parallel_loop3A_596 = arith.index_cast %parallel_loop3A_594 : i32 to index
      %parallel_loop3A_597 = arith.index_cast %parallel_loop3A_595 : i32 to index
      %parallel_loop3A_598 = arith.index_cast %parallel_loop3A_455 : i32 to index
      %parallel_loop3A_599 = arith.constant 80 : index
      %parallel_loop3A_600 = tpu.vector_load %arg7[%parallel_loop3A_596, %parallel_loop3A_597, %parallel_loop3A_598, %parallel_loop3A_599] {strides = array<i32>} : memref<2x3x128x128xf32, #tpu.memory_space<vmem>>, vector<1x1x1x16xf32>,
      %parallel_loop3A_601 = vector.shape_cast %parallel_loop3A_600 : vector<1x1x1x16xf32> to vector<16xf32>
      %parallel_loop3A_602 = arith.addf %parallel_loop3A_593, %parallel_loop3A_601 : vector<16xf32>
      %parallel_loop3A_603 = arith.constant 1 : i32
      %parallel_loop3A_604 = arith.constant 0 : i32
      %parallel_loop3A_605 = arith.index_cast %parallel_loop3A_603 : i32 to index
      %parallel_loop3A_606 = arith.index_cast %parallel_loop3A_604 : i32 to index
      %parallel_loop3A_607 = arith.index_cast %parallel_loop3A_455 : i32 to index
      %parallel_loop3A_608 = arith.constant 80 : index
      %parallel_loop3A_609 = tpu.vector_load %arg7[%parallel_loop3A_605, %parallel_loop3A_606, %parallel_loop3A_607, %parallel_loop3A_608] {strides = array<i32>} : memref<2x3x128x128xf32, #tpu.memory_space<vmem>>, vector<1x1x1x16xf32>,
      %parallel_loop3A_610 = vector.shape_cast %parallel_loop3A_609 : vector<1x1x1x16xf32> to vector<16xf32>
      %parallel_loop3A_611 = vector.shape_cast %parallel_loop3A_602 : vector<16xf32> to vector<1x1x1x16xf32>
      tpu.vector_store %arg7[%parallel_loop3A_605, %parallel_loop3A_606, %parallel_loop3A_607, %parallel_loop3A_608], %parallel_loop3A_611 {add = true, strides = array<i32>} : memref<2x3x128x128xf32, #tpu.memory_space<vmem>>, vector<1x1x1x16xf32>,
      %parallel_loop3A_612 = arith.constant 1 : i32
      %parallel_loop3A_613 = arith.constant 1 : i32
      %parallel_loop3A_614 = arith.index_cast %parallel_loop3A_612 : i32 to index
      %parallel_loop3A_615 = arith.index_cast %parallel_loop3A_613 : i32 to index
      %parallel_loop3A_616 = arith.index_cast %parallel_loop3A_455 : i32 to index
      %parallel_loop3A_617 = arith.constant 96 : index
      %parallel_loop3A_618 = tpu.vector_load %arg7[%parallel_loop3A_614, %parallel_loop3A_615, %parallel_loop3A_616, %parallel_loop3A_617] {strides = array<i32>} : memref<2x3x128x128xf32, #tpu.memory_space<vmem>>, vector<1x1x1x16xf32>,
      %parallel_loop3A_619 = vector.shape_cast %parallel_loop3A_618 : vector<1x1x1x16xf32> to vector<16xf32>
      %parallel_loop3A_620 = arith.constant 1 : i32
      %parallel_loop3A_621 = arith.constant 2 : i32
      %parallel_loop3A_622 = arith.index_cast %parallel_loop3A_620 : i32 to index
      %parallel_loop3A_623 = arith.index_cast %parallel_loop3A_621 : i32 to index
      %parallel_loop3A_624 = arith.index_cast %parallel_loop3A_455 : i32 to index
      %parallel_loop3A_625 = arith.constant 96 : index
      %parallel_loop3A_626 = tpu.vector_load %arg7[%parallel_loop3A_622, %parallel_loop3A_623, %parallel_loop3A_624, %parallel_loop3A_625] {strides = array<i32>} : memref<2x3x128x128xf32, #tpu.memory_space<vmem>>, vector<1x1x1x16xf32>,
      %parallel_loop3A_627 = vector.shape_cast %parallel_loop3A_626 : vector<1x1x1x16xf32> to vector<16xf32>
      %parallel_loop3A_628 = arith.addf %parallel_loop3A_619, %parallel_loop3A_627 : vector<16xf32>
      %parallel_loop3A_629 = arith.constant 1 : i32
      %parallel_loop3A_630 = arith.constant 0 : i32
      %parallel_loop3A_631 = arith.index_cast %parallel_loop3A_629 : i32 to index
      %parallel_loop3A_632 = arith.index_cast %parallel_loop3A_630 : i32 to index
      %parallel_loop3A_633 = arith.index_cast %parallel_loop3A_455 : i32 to index
      %parallel_loop3A_634 = arith.constant 96 : index
      %parallel_loop3A_635 = tpu.vector_load %arg7[%parallel_loop3A_631, %parallel_loop3A_632, %parallel_loop3A_633, %parallel_loop3A_634] {strides = array<i32>} : memref<2x3x128x128xf32, #tpu.memory_space<vmem>>, vector<1x1x1x16xf32>,
      %parallel_loop3A_636 = vector.shape_cast %parallel_loop3A_635 : vector<1x1x1x16xf32> to vector<16xf32>
      %parallel_loop3A_637 = vector.shape_cast %parallel_loop3A_628 : vector<16xf32> to vector<1x1x1x16xf32>
      tpu.vector_store %arg7[%parallel_loop3A_631, %parallel_loop3A_632, %parallel_loop3A_633, %parallel_loop3A_634], %parallel_loop3A_637 {add = true, strides = array<i32>} : memref<2x3x128x128xf32, #tpu.memory_space<vmem>>, vector<1x1x1x16xf32>,
      %parallel_loop3A_638 = arith.constant 1 : i32
      %parallel_loop3A_639 = arith.constant 1 : i32
      %parallel_loop3A_640 = arith.index_cast %parallel_loop3A_638 : i32 to index
      %parallel_loop3A_641 = arith.index_cast %parallel_loop3A_639 : i32 to index
      %parallel_loop3A_642 = arith.index_cast %parallel_loop3A_455 : i32 to index
      %parallel_loop3A_643 = arith.constant 112 : index
      %parallel_loop3A_644 = tpu.vector_load %arg7[%parallel_loop3A_640, %parallel_loop3A_641, %parallel_loop3A_642, %parallel_loop3A_643] {strides = array<i32>} : memref<2x3x128x128xf32, #tpu.memory_space<vmem>>, vector<1x1x1x16xf32>,
      %parallel_loop3A_645 = vector.shape_cast %parallel_loop3A_644 : vector<1x1x1x16xf32> to vector<16xf32>
      %parallel_loop3A_646 = arith.constant 1 : i32
      %parallel_loop3A_647 = arith.constant 2 : i32
      %parallel_loop3A_648 = arith.index_cast %parallel_loop3A_646 : i32 to index
      %parallel_loop3A_649 = arith.index_cast %parallel_loop3A_647 : i32 to index
      %parallel_loop3A_650 = arith.index_cast %parallel_loop3A_455 : i32 to index
      %parallel_loop3A_651 = arith.constant 112 : index
      %parallel_loop3A_652 = tpu.vector_load %arg7[%parallel_loop3A_648, %parallel_loop3A_649, %parallel_loop3A_650, %parallel_loop3A_651] {strides = array<i32>} : memref<2x3x128x128xf32, #tpu.memory_space<vmem>>, vector<1x1x1x16xf32>,
      %parallel_loop3A_653 = vector.shape_cast %parallel_loop3A_652 : vector<1x1x1x16xf32> to vector<16xf32>
      %parallel_loop3A_654 = arith.addf %parallel_loop3A_645, %parallel_loop3A_653 : vector<16xf32>
      %parallel_loop3A_655 = arith.constant 1 : i32
      %parallel_loop3A_656 = arith.constant 0 : i32
      %parallel_loop3A_657 = arith.index_cast %parallel_loop3A_655 : i32 to index
      %parallel_loop3A_658 = arith.index_cast %parallel_loop3A_656 : i32 to index
      %parallel_loop3A_659 = arith.index_cast %parallel_loop3A_455 : i32 to index
      %parallel_loop3A_660 = arith.constant 112 : index
      %parallel_loop3A_661 = tpu.vector_load %arg7[%parallel_loop3A_657, %parallel_loop3A_658, %parallel_loop3A_659, %parallel_loop3A_660] {strides = array<i32>} : memref<2x3x128x128xf32, #tpu.memory_space<vmem>>, vector<1x1x1x16xf32>,
      %parallel_loop3A_662 = vector.shape_cast %parallel_loop3A_661 : vector<1x1x1x16xf32> to vector<16xf32>
      %parallel_loop3A_663 = vector.shape_cast %parallel_loop3A_654 : vector<16xf32> to vector<1x1x1x16xf32>
      tpu.vector_store %arg7[%parallel_loop3A_657, %parallel_loop3A_658, %parallel_loop3A_659, %parallel_loop3A_660], %parallel_loop3A_663 {add = true, strides = array<i32>} : memref<2x3x128x128xf32, #tpu.memory_space<vmem>>, vector<1x1x1x16xf32>,
    } {sc.loop_unroll_factor = 1 : i64, sc.parallel_access}
    %mul3A_409 = arith.constant 512 : i32
    %mul3A_410 = arith.muli %add3A, %mul3A_409 : i32
    %add3A_411 = arith.constant 384 : i32
    %add3A_412 = arith.addi %mul3A_410, %add3A_411 : i32
    %dma_start3A_413 = arith.constant 1 : i32
    %dma_start3A_414 = arith.constant 0 : i32
    %dma_start3A_415 = arith.constant 0 : i32
    %dma_start3A_416 = arith.constant 0 : i32
    %dma_start3A_417 = tpu.memref_slice %arg7[%dma_start3A_413, %dma_start3A_414, %dma_start3A_415, %dma_start3A_416] : memref<2x3x128x128xf32, #tpu.memory_space<vmem>> -> memref<1x1x128x128xf32, #tpu.memory_space<vmem>>
    %dma_start3A_418 = tpu.memref_squeeze %dma_start3A_417 : memref<1x1x128x128xf32, #tpu.memory_space<vmem>> -> memref<128x128xf32, #tpu.memory_space<vmem>>
    %dma_start3A_419 = arith.constant 0 : i32
    %dma_start3A_420 = tpu.memref_slice %arg4[%add3A_412, %dma_start3A_419] : memref<16384x128xf32, #tpu.memory_space<hbm>> -> memref<128x128xf32, #tpu.memory_space<hbm>>
    %dma_start3A_421 = arith.constant 0 : i32
    %dma_start3A_422 = tpu.memref_slice %arg4[%add3A_412, %dma_start3A_421] : memref<16384x128xf32, #tpu.memory_space<hbm>> -> memref<128x128xf32, #tpu.memory_space<hbm>>
    %dma_start3A_423 = arith.constant 0 : i32
    %dma_start3A_424 = arith.constant 0 : i32
    %dma_start3A_425 = tpu.memref_slice %arg7[%dma_start3A_413, %dma_start3A_414, %dma_start3A_423, %dma_start3A_424] : memref<2x3x128x128xf32, #tpu.memory_space<vmem>> -> memref<1x1x128x128xf32, #tpu.memory_space<vmem>>
    %dma_start3A_426 = tpu.memref_squeeze %dma_start3A_425 : memref<1x1x128x128xf32, #tpu.memory_space<vmem>> -> memref<128x128xf32, #tpu.memory_space<vmem>>
    tpu.enqueue_dma source(%dma_start3A_426 : memref<128x128xf32, #tpu.memory_space<vmem>>) target(%dma_start3A_422 : memref<128x128xf32, #tpu.memory_space<hbm>>) target_semaphore(%arg10 : memref<!tpu.dma_semaphore, #tpu.memory_space<semaphore_mem>>)
    %dma_wait3A_427 = arith.constant 0 : i32
    %dma_wait3A_428 = arith.constant 0 : i32
    %dma_wait3A_429 = arith.constant 0 : i32
    %dma_wait3A_430 = arith.constant 0 : i32
    %dma_wait3A_431 = tpu.memref_slice %arg7[%dma_wait3A_427, %dma_wait3A_428, %dma_wait3A_429, %dma_wait3A_430] : memref<2x3x128x128xf32, #tpu.memory_space<vmem>> -> memref<1x1x128x128xf32, #tpu.memory_space<vmem>>
    %dma_wait3A_432 = tpu.memref_squeeze %dma_wait3A_431 : memref<1x1x128x128xf32, #tpu.memory_space<vmem>> -> memref<128x128xf32, #tpu.memory_space<vmem>>
    %dma_wait3A_433 = arith.constant 0 : i32
    %dma_wait3A_434 = tpu.memref_slice %arg4[%add3A_352, %dma_wait3A_433] : memref<16384x128xf32, #tpu.memory_space<hbm>> -> memref<128x128xf32, #tpu.memory_space<hbm>>
    %dma_wait3A_435 = arith.constant 0 : i32
    %dma_wait3A_436 = tpu.memref_slice %arg4[%add3A_352, %dma_wait3A_435] : memref<16384x128xf32, #tpu.memory_space<hbm>> -> memref<128x128xf32, #tpu.memory_space<hbm>>
    %dma_wait3A_437 = arith.constant 0 : i32
    %dma_wait3A_438 = arith.constant 0 : i32
    %dma_wait3A_439 = tpu.memref_slice %arg7[%dma_wait3A_427, %dma_wait3A_428, %dma_wait3A_437, %dma_wait3A_438] : memref<2x3x128x128xf32, #tpu.memory_space<vmem>> -> memref<1x1x128x128xf32, #tpu.memory_space<vmem>>
    %dma_wait3A_440 = tpu.memref_squeeze %dma_wait3A_439 : memref<1x1x128x128xf32, #tpu.memory_space<vmem>> -> memref<128x128xf32, #tpu.memory_space<vmem>>
    tpu.wait_dma2 semaphore(%arg10 : memref<!tpu.dma_semaphore, #tpu.memory_space<semaphore_mem>>) src(%dma_wait3A_440 : memref<128x128xf32, #tpu.memory_space<vmem>>) dst(%dma_wait3A_436 : memref<128x128xf32, #tpu.memory_space<hbm>>)
    %dma_wait3A_441 = arith.constant 1 : i32
    %dma_wait3A_442 = arith.constant 0 : i32
    %dma_wait3A_443 = arith.constant 0 : i32
    %dma_wait3A_444 = arith.constant 0 : i32
    %dma_wait3A_445 = tpu.memref_slice %arg7[%dma_wait3A_441, %dma_wait3A_442, %dma_wait3A_443, %dma_wait3A_444] : memref<2x3x128x128xf32, #tpu.memory_space<vmem>> -> memref<1x1x128x128xf32, #tpu.memory_space<vmem>>
    %dma_wait3A_446 = tpu.memref_squeeze %dma_wait3A_445 : memref<1x1x128x128xf32, #tpu.memory_space<vmem>> -> memref<128x128xf32, #tpu.memory_space<vmem>>
    %dma_wait3A_447 = arith.constant 0 : i32
    %dma_wait3A_448 = tpu.memref_slice %arg4[%add3A_412, %dma_wait3A_447] : memref<16384x128xf32, #tpu.memory_space<hbm>> -> memref<128x128xf32, #tpu.memory_space<hbm>>
    %dma_wait3A_449 = arith.constant 0 : i32
    %dma_wait3A_450 = tpu.memref_slice %arg4[%add3A_412, %dma_wait3A_449] : memref<16384x128xf32, #tpu.memory_space<hbm>> -> memref<128x128xf32, #tpu.memory_space<hbm>>
    %dma_wait3A_451 = arith.constant 0 : i32
    %dma_wait3A_452 = arith.constant 0 : i32
    %dma_wait3A_453 = tpu.memref_slice %arg7[%dma_wait3A_441, %dma_wait3A_442, %dma_wait3A_451, %dma_wait3A_452] : memref<2x3x128x128xf32, #tpu.memory_space<vmem>> -> memref<1x1x128x128xf32, #tpu.memory_space<vmem>>
    %dma_wait3A_454 = tpu.memref_squeeze %dma_wait3A_453 : memref<1x1x128x128xf32, #tpu.memory_space<vmem>> -> memref<128x128xf32, #tpu.memory_space<vmem>>
    tpu.wait_dma2 semaphore(%arg10 : memref<!tpu.dma_semaphore, #tpu.memory_space<semaphore_mem>>) src(%dma_wait3A_454 : memref<128x128xf32, #tpu.memory_space<vmem>>) dst(%dma_wait3A_450 : memref<128x128xf32, #tpu.memory_space<hbm>>)
    return
  }
}

module attributes {stable_mosaic.version = 14 : i64} {
  func.func @_index_body(%arg0: memref<3x16384xf32, #tpu.memory_space<vmem>>, %arg1: memref<3x16384xi32, #tpu.memory_space<vmem>>) attributes {dimension_semantics = [], scalar_prefetch = 0 : i64, scratch_operands = 0 : i64, tpu.core_type = #tpu.core_type<tc>} {
    %get3A = arith.constant 0 : index
    %get3A_0 = arith.constant 0 : index
    %get3A_1 = vector.load %arg0[%get3A, %get3A_0] : memref<3x16384xf32, #tpu.memory_space<vmem>>, vector<3x16384xf32>
    %reduce_min3A = arith.constant dense<0x7F800000> : vector<3xf32>
    %reduce_min3A_2 = vector.multi_reduction <minimumf>, %get3A_1, %reduce_min3A [1] : vector<3x16384xf32> to vector<3xf32>
    %broadcast_in_dim3A = vector.shape_cast %reduce_min3A_2 : vector<3xf32> to vector<3x1xf32>
    %sub3A = vector.broadcast %broadcast_in_dim3A : vector<3x1xf32> to vector<3x16384xf32>
    %sub3A_3 = arith.subf %get3A_1, %sub3A : vector<3x16384xf32>
    %reduce_max3A = arith.constant dense<0xFF800000> : vector<3xf32>
    %reduce_max3A_4 = vector.multi_reduction <maximumf>, %sub3A_3, %reduce_max3A [1] : vector<3x16384xf32> to vector<3xf32>
    %broadcast_in_dim3A_5 = vector.shape_cast %reduce_max3A_4 : vector<3xf32> to vector<3x1xf32>
    %div3A = vector.broadcast %broadcast_in_dim3A_5 : vector<3x1xf32> to vector<3x16384xf32>
    %div3A_6 = arith.divf %sub3A_3, %div3A : vector<3x16384xf32>
    %mul3A = arith.constant 1.000000e+04 : f32
    %mul3A_7 = vector.broadcast %mul3A : f32 to vector<3x16384xf32>
    %mul3A_8 = arith.mulf %div3A_6, %mul3A_7 : vector<3x16384xf32>
    %convert_element_type3A = arith.fptosi %mul3A_8 : vector<3x16384xf32> to vector<3x16384xi32>
    %jit3A = arith.constant 0 : i32
    %jit3A_9 = arith.constant 9999 : i32
    %max3A = vector.broadcast %jit3A : i32 to vector<3x16384xi32>
    %max3A_10 = arith.maxsi %max3A, %convert_element_type3A : vector<3x16384xi32>
    %min3A = vector.broadcast %jit3A_9 : i32 to vector<3x16384xi32>
    %min3A_11 = arith.minsi %min3A, %max3A_10 : vector<3x16384xi32>
    %swap3A = arith.constant 0 : index
    %swap3A_12 = arith.constant 0 : index
    %swap3A_13 = vector.load %arg1[%swap3A, %swap3A_12] : memref<3x16384xi32, #tpu.memory_space<vmem>>, vector<3x16384xi32>
    tpu.vector_store %arg1[%swap3A, %swap3A_12], %min3A_11 {strides = array<i32>} : memref<3x16384xi32, #tpu.memory_space<vmem>>, vector<3x16384xi32>,
    return
  }
}

</mosaic_0001>

<sc_bundles>
// kernel: kernel.4.cloned.1.call-start
scs
__scs_entry_jumppad:
0x0: {  	(pc) =	sbr.rel $0x88, $3  }
0x1: {  	(tag) =	ssettag $0x0;
	lr =	simm.s32 $0x1  }
0x2: {  	[smem:$0x3F9F] =	sst lr;
	_ =	strace $0xD0000000  }
0x3: {  	_ = 	snop  }
0x4: {  	_ = 	snop  }
0x5: {  	_ = 	snop  }
0x6: {  	_ = 	snop  }
0x7: {  	_ = 	snop  }
__scs_overlays_trampoline_lowered:
0x8: {  	[smem:$0x3FAE] =	sst s0  }
0x9: {  	[smem:$0x3FAF] =	sst s1  }
0xa: {  	[smem:$0x3FB0] =	sst s2  }
0xb: {  	[smem:$0x3FB1] =	sst s3  }
0xc: {  	[smem:$0x3FB2] =	sst s4  }
0xd: {  	[smem:$0x3FB3] =	sst s5  }
0xe: {  	[smem:$0x3FB4] =	sst s6  }
0xf: {  	[smem:$0x3FB5] =	sst s7  }
0x10: {  	[smem:$0x3FB6] =	sst s8  }
0x11: {  	[smem:$0x3FB7] =	sst s9;
	s0 =	simm.s32 @!p0 $0x0  }
0x12: {  	s1 =	sld [smem:$0x3F9D];
	s0 =	simm.s32 @p0 $0x1  }
0x13: {  	[smem:$0x3FB8] =	sst s0;
	s0 =	simm.s32 @!p1 $0x0  }
0x14: {  	s2 =	sld [smem:$0x3F9C];
	s0 =	simm.s32 @p1 $0x1  }
0x15: {  	[smem:$0x3FB9] =	sst s0;
	s0 =	simm.s32 @!p2 $0x0  }
0x16: {  	s3 =	sld [smem:$0x3FDB];
	s0 =	simm.s32 @p2 $0x1  }
0x17: {  	s4 =	simm.s32 $0x1BF5;
	[smem:$0x3FBB] =	sst s0  }
0x18: {  	s0 =	sld [smem:$0x3F9E];
	_ =	swait.ge [sflag:s4], $0x0  }
0x19: {  	s7 =	sld [smem:$0x3F9F]  }
0x1a: {  	s8 =	sadd.s32 $0xFFFFE003, lr  }
0x1b: {  	s9 =	sadd.s32 $0xFFFFFEF7, lr;
	s5 =	simm.s32 $0xFFFFFFFF;
	p2 =	slt.u32 s8, $0xFFFFF086  }
0x1c: {  	p1 =	slt.u32 s9, $0xF7A;
	s5 =	simm.s32 @!p2 $0x0  }
0x1d: {  	s5 =	simm.s32 @p1 $0x1;
	p0 =	seq.s32 s7, s2  }
0x1e: {  	s7 =	smul.u32 @!p0 $0xF7A, s2;
	p2 =	seq.s32 @!p0 s5, $0x0  }
0x1f: {  	s9 =	smul.u32 $0xF7A, s1;
	s8 =	simm.s32 @!p0 $0x1BF5;
	p2 =	por !p2, p0  }
0x20: {  	[sflag:s8] =	ssyncset.s32 @!p0 $0xFFFFF086;
	s6 =	sadd.s32 @!p0 s3, s7;
	s7 =	simm.s32 @!p0 $0x108  }
0x21: {  	s3 =	sadd.s32 s3, s9;
	s6 =	sadd.s32 @!p0 $0x88, s6;
	s7 =	simm.s32 @p2 $0x1082  }
0x22: {  	[simem:s7], [sflag:s8] =	dma.local @!p0 [hbm:s6], $0xF7A  }
0x23: {  	s9 =	sor.u32 $0xD0000000, s2;
	s6 =	simm.s32 $0x108;
	_ =	swait.ge @!p0 [sflag:s8], $0x0  }
0x24: {  	s3 =	sadd.s32 $0x88, s3;
	s6 =	simm.s32 @!p1 $0x1082;
	[sflag:s4] =	ssyncset.s32 $0xFFFFF086  }
0x25: {  	[simem:s6], [sflag:s4] =	dma.local [hbm:s3], $0xF7A  }
0x26: {  	[smem:$0x3F9F] =	sst s1;
	(tag) =	ssettag s2;
	_ =	strace s9  }
0x27: {  	s1 =	sld [smem:$0x3FAF]  }
0x28: {  	s2 =	sld [smem:$0x3FB0]  }
0x29: {  	s4 =	sld [smem:$0x3FB2]  }
0x2a: {  	p0 =	seq.s32 s5, $0x0;
	s5 =	sld [smem:$0x3FB3]  }
0x2b: {  	s6 =	sld [smem:$0x3FB4]  }
0x2c: {  	s7 =	sld [smem:$0x3FB5]  }
0x2d: {  	s3 =	simm.s32 $0x108;
	s8 =	sld [smem:$0x3FB6]  }
0x2e: {  	s3 =	simm.s32 @!p0 $0x1082;
	s9 =	sld [smem:$0x3FB7]  }
0x2f: {  	lr =	sadd.s32 s0, s3;
	s0 =	sld [smem:$0x3FAE]  }
0x30: {  	s3 =	sld [smem:$0x3FB1]  }
0x31: {  	[smem:$0x3FBA] =	sst s10  }
0x32: {  	s10 =	sld [smem:$0x3FB8];
	_ =	sdelay $0x3  }
0x33: {  	p0 =	seq.s32 s10, $0x1;
	s10 =	sld [smem:$0x3FBA];
	_ =	sdelay $0x3  }
0x34: {  	[smem:$0x3FBA] =	sst s10  }
0x35: {  	s10 =	sld [smem:$0x3FB9];
	_ =	sdelay $0x3  }
0x36: {  	p1 =	seq.s32 s10, $0x1;
	s10 =	sld [smem:$0x3FBA];
	_ =	sdelay $0x3  }
0x37: {  	[smem:$0x3FBA] =	sst s10  }
0x38: {  	s10 =	sld [smem:$0x3FBB]  }
0x39: {  	_ = 	snop;
	(pc) =	sbr.ind lr, $3  }
0x3a: {  	_ = 	snop  }
0x3b: {  	_ = 	snop  }
0x3c: {  	p2 =	seq.s32 s10, $0x1;
	s10 =	sld [smem:$0x3FBA]  }
0x3d: {  	_ =	shalt  }
0x3e: {  	_ =	shalt  }
0x3f: {  	_ =	shalt  }
0x40: {  	_ =	shalt  }
0x41: {  	_ =	shalt  }
0x42: {  	_ =	shalt  }
0x43: {  	_ =	shalt  }
0x44: {  	_ =	shalt  }
0x45: {  	_ =	shalt  }
0x46: {  	_ =	shalt  }
0x47: {  	_ =	shalt  }
0x48: {  	_ =	shalt  }
0x49: {  	_ =	shalt  }
0x4a: {  	_ =	shalt  }
0x4b: {  	_ =	shalt  }
0x4c: {  	_ =	shalt  }
0x4d: {  	_ =	shalt  }
0x4e: {  	_ =	shalt  }
0x4f: {  	_ =	shalt  }
0x50: {  	_ =	shalt  }
0x51: {  	_ =	shalt  }
0x52: {  	_ =	shalt  }
0x53: {  	_ =	shalt  }
0x54: {  	_ =	shalt  }
0x55: {  	_ =	shalt  }
0x56: {  	_ =	shalt  }
0x57: {  	_ =	shalt  }
0x58: {  	_ =	shalt  }
0x59: {  	_ =	shalt  }
0x5a: {  	_ =	shalt  }
0x5b: {  	_ =	shalt  }
0x5c: {  	_ =	shalt  }
0x5d: {  	_ =	shalt  }
0x5e: {  	_ =	shalt  }
0x5f: {  	_ =	shalt  }
0x60: {  	_ =	shalt  }
0x61: {  	_ =	shalt  }
0x62: {  	_ =	shalt  }
0x63: {  	_ =	shalt  }
0x64: {  	_ =	shalt  }
0x65: {  	_ =	shalt  }
0x66: {  	_ =	shalt  }
0x67: {  	_ =	shalt  }
0x68: {  	_ =	shalt  }
0x69: {  	_ =	shalt  }
0x6a: {  	_ =	shalt  }
0x6b: {  	_ =	shalt  }
0x6c: {  	_ =	shalt  }
0x6d: {  	_ =	shalt  }
0x6e: {  	_ =	shalt  }
0x6f: {  	_ =	shalt  }
0x70: {  	_ =	shalt  }
0x71: {  	_ =	shalt  }
0x72: {  	_ =	shalt  }
0x73: {  	_ =	shalt  }
0x74: {  	_ =	shalt  }
0x75: {  	_ =	shalt  }
0x76: {  	_ =	shalt  }
0x77: {  	_ =	shalt  }
0x78: {  	_ =	shalt  }
0x79: {  	_ =	shalt  }
0x7a: {  	_ =	shalt  }
0x7b: {  	_ =	shalt  }
0x7c: {  	_ =	shalt  }
0x7d: {  	_ =	shalt  }
0x7e: {  	_ =	shalt  }
0x7f: {  	_ =	shalt  }
0x80: {  	_ =	shalt  }
0x81: {  	_ =	shalt  }
0x82: {  	_ =	shalt  }
0x83: {  	_ =	shalt  }
0x84: {  	_ =	shalt  }
0x85: {  	_ =	shalt  }
0x86: {  	_ =	shalt  }
0x87: {  	_ =	shalt  }
.Lfunc_end0:
.L_simem_size_0:
called_computation_lowered:
.L_overlay_start_0:
0x88: {  	s2 =	sld [smem:$0x3FD9]  }
0x89: {  	s3 =	sld [smem:$0x3FFE];
	_ =	sdelay $0x1  }
0x8a: {  	s1 =	srdreg.scid  }
0x8b: {  	s0 =	sand.u32 $0x1, s1  }
0x8c: {  	s17 =	sshll.u32 s0, $0xA;
	s2 =	sadd.s32 s3, s2  }
0x8d: {  	s2 =	sadd.s32 s2, s17  }
0x8e: {  	[smem:$0x3FC6] =	sst s2  }
0x8f: {  	_ = 	snop  }
0x90: {  	s2 =	sld [smem:$0x3FC8]  }
0x91: {  	s18 =	sld [smem:$0x3FD0];
	(tm) =	ssettm $0x1  }
0x92: {  	s4 =	sld [smem:$0x3FFB];
	_ =	sdelay $0x3  }
0x93: {  	_ =	strace s4  }
0x94: {  	s4 =	sld [smem:$0x3FFC];
	_ =	sdelay $0x3  }
0x95: {  	_ =	strace s4  }
0x96: {  	s4 =	sld [smem:$0x3FFD];
	_ =	sdelay $0x3  }
0x97: {  	_ =	strace s4  }
0x98: {  	_ =	strace $0x8FFFFFFF  }
0x99: {  	s19 =	sld [smem:$0x3FDB];
	_ =	sdelay $0x1  }
0x9a: {  	s5 =	simm.s32 $_scs_section_size  }
0x9b: {  	s6 =	simm.s32 $_size__tile_overlayer_lowered;
	s7 =	simm.s32 $_tile_overlayer_lowered  }
0x9c: {  	s22 =	simm.s32 $0x1BFF;
	s21 =	sshll.u32 s7, $0x1;
	s4 =	sadd.s32 s5, s19  }
0x9d: {  	s8 =	simm.s32 $0x0;
	s20 =	sshll.u32 s6, $0x1;
	s6 =	sadd.s32 s21, s4  }
0x9e: {  	[timem:s8], [sflag:s22] =	dma.local [hbm:s6], s20  }
0x9f: {  	_ =	swait.ge [sflag:s22], s20  }
0xa0: {  	s5 =	ssub.s32 $0x0, s20;
	[sflag:s22] =	ssyncset.done $0x0  }
0xa1: {  	[sflag:s22] =	ssyncadd.s32 s5;
	_ =	sdelay $0x1  }
0xa2: {  	s23 =	simm.s32 $0x1B8B  }
0xa3: {  	_ =	swait.ge [sflag:s23], $0x1  }
0xa4: {  	[sflag:s23] =	ssyncset.done $0x0  }
0xa5: {  	s25 =	simm.s32 $0x1B8E;
	s24 =	sld [smem:$0x3FFE];
	[sflag:s23] =	ssyncadd.s32 $0xFFFFFFFF  }
0xa6: {  	s26 =	simm.s32 $execute0_lowered;
	[smem:$0x3FD2] =	sst s25  }
0xa7: {  	s6 =	sshll.u32 s26, $0x1;
	_ =	strace $0x80000046;
	[dreg:$0x1] =	wrdreg $0xFFFFFFFF  }
0xa8: {  	s28 =	simm.s32 $_size_execute0_lowered;
	s4 =	sadd.s32 s4, s6;
	[dreg:$0x0] =	wrdreg $0x0  }
0xa9: {  	s6 =	sshll.u32 s28, $0x1;
	[dreg:$0x2] =	wrdreg s4  }
0xaa: {  	[dreg:$0x3] =	wrdreg s6  }
0xab: {  	[dreg:$0x4] =	wrdreg $0xC0  }
0xac: {  	_ =	task [dreg:s8], $0x5FFFF  }
0xad: {  	[dreg:$0x1] =	wrdreg $0xFFFFFFFF  }
0xae: {  	[dreg:$0x0] =	wrdreg $0x60  }
0xaf: {  	[dreg:$0x2] =	wrdreg s2  }
0xb0: {  	[dreg:$0x3] =	wrdreg s24  }
0xb1: {  	[dreg:$0x4] =	wrdreg s18  }
0xb2: {  	[dreg:$0x5] =	wrdreg $0x9  }
0xb3: {  	_ =	task.clear_ibuf [dreg:s8], $0x6FFFF;
	_ =	strace $0x90000046  }
0xb4: {  	s29 =	simm.s32 $0x9;
	_ =	strace $0x80000048  }
0xb5: {  	_ =	swait.ge [sflag:s29], $0x1  }
0xb6: {  	[sflag:s29] =	ssyncadd.s32 $0xFFFFFFFF  }
0xb7: {  	_ =	strace $0x90000048  }
0xb8: {  	_ =	sfence  }
0xb9: {  	s30 =	sld [smem:$0x0];
	_ =	sdelay $0x2  }
0xba: {  	s31 =	sshll.u32 s1, $0xD;
	s1 =	sshrl.u32 s1, $0x2  }
0xbb: {  	s3 =	sand.u32 $0x4000, s31;
	s1 =	sadd.s32 s1, s30  }
0xbc: {  	s0 =	sor.u32 s3, s0;
	s1 =	sshll.u32 s1, $0x11  }
0xbd: {  	s0 =	sor.u32 s1, s0  }
0xbe: {  	s0 =	sadd.s32 $0x8F2B, s0  }
0xbf: {  	[sflag:s0] =	ssyncadd.remote.s32 $0x1  }
0xc0: {  	_ =	sfence.sel $0xFFFF  }
0xc1: {  	[dreg:$0x0] =	wrdreg $0xFFFFFFFF;
	(pc) =	sbr.abs _section_cstart, $3  }
0xc2: {  	[dreg:$0x1] =	wrdreg $0xFFFFFFFF  }
0xc3: {  	_ =	task.clear_ibuf [dreg:s8], $0x2FFFF;
	_ =	strace $0x9FFFFFFF  }
0xc4: {  	(tm) =	ssettm $0x7FFFFFFF  }
0xc5: {  	_ =	shalt  }
tec
execute0_lowered:
.L_overlay_start_1:
0x0: {  	(tag) =	ssettag $0x1  }
0x1: {  	s1 =	rddreg [dreg:$0x0]  }
0x2: {  	s0 =	rddreg [dreg:$0x1]  }
0x3: {  	s2 =	rddreg [dreg:$0x2];
	s4 =	srdreg.scid;
	s3 =	simm.s32 $0x0  }
0x4: {  	s5 =	stileid.u32;
	s10 =	simm.s32 $0x4;
	s11 =	simm.s32 $0x80  }
0x5: {  	s13 =	simm.s32 $0x1000;
	s15 =	simm.s32 $0x5000;
	s17 =	simm.s32 $0x9000  }
0x6: {  	s19 =	simm.s32 $0xD000;
	s21 =	simm.s32 $0x11000;
	s23 =	simm.s32 $0x15000  }
0x7: {  	s24 =	simm.s32 $0x1;
	s25 =	simm.s32 $0x3;
	s30 =	simm.s32 $0x2  }
0x8: {  	s12 =	simm.s32 $0x0;
	s4 =	sand.u32 $0x1, s4;
	[smem:$0x7FF] =	sst s3  }
0x9: {  	s5 =	sshll.u32 s5, $0xA;
	s6 =	sshll.u32 s4, $0x9;
	s7 =	ssub.s32 $0x2, s4  }
0xa: {  	_ =	strace $0x80000047;
	s5 =	sor.u32 s6, s5;
	s29 =	sshrl.u32 s7, $0x1  }
0xb: {  	s6 =	sshrl.u32 s5, $0x1;
	s28 =	sshll.u32 s5, $0x4;
	s31 =	ssub.s32 s7, s29  }
0xc: {  	s0 =	sadd.s32 s6, s0;
	s4 =	sadd.s32 s2, s28;
	s9 =	smax.u32 s31, $0x1  }
0xd: {  	s2 =	simm.s32 $0xD80;
	s5 =	sadd.s32 $0x800, s0;
	s6 =	sadd.s32 $0x800, s4  }
0xe: {  	s7 =	sadd.s32 $0x1000, s4;
	s8 =	sadd.s32 $0x1800, s4;
	s0 =	simm.s32 $0xB80  }
.LBB2_1:
0xf: {  	[tilespmem:s3], [sflag:$0x4] =	stream.linear.gather [hbm4b:s5+s3], $0x800, $0x38;
	[tilespmem:$0x19000] =	vst v63  }
0x10: {  	s14 =	simm.s32 $0x0;
	s16 =	sand.u32 $0x600, s3  }
0x11: {  	s22 =	simm.s32 $0x0;
	_ =	swait.ge [sflag:s10], $0x800;
	s18 =	sand.u32 $0xFFFFFF80, s14  }
0x12: {  	s14 =	sand.u32 $0x70, s3;
	[sflag:s10] =	ssyncset.done $0x0;
	s18 =	sadd.s32 s18, s16  }
0x13: {  	s20 =	simm.s32 $0x40;
	[sflag:s10] =	ssyncadd.s32 $0xFFFFF800;
	s18 =	sor.u32 s14, s18  }
0x14: {  	s26 =	simm.s32 $0x0;
	s16 =	simm.s32 $0x1;
	v0 =	vld [tilespmem:s18+$0x0];
	s18 =	simm.s32 $0x10  }
.LBB2_2:
0x15: {  	s28 =	sshll.u32 s16, $0x4  }
0x16: {  	p0 =	sne.s32 s16, $0x5F;
	s16 =	sadd.s32 $0x1, s16;
	s26 =	sand.u32 $0x180, s26  }
.Ltmp0:
0x17: {  	s22 =	sand.u32 $0x3FFFFE00, s22;
	s29 =	sshra.s32 s28, $0x2;
	(pc) =	sbr.rel @p0 .LBB2_2-.Ltmp0, $4  }
0x18: {  	s31 =	sand.u32 $0x600, s20;
	s22 =	sor.u32 s26, s22;
	s29 =	sand.u32 $0xFFFFFF80, s29  }
0x19: {  	s22 =	sor.u32 s14, s22;
	s14 =	sand.u32 $0x70, s18;
	s26 =	sadd.s32 s29, s31  }
0x1a: {  	s29 =	sor.u32 s14, s26;
	[tilespmem:s22+$0x800] =	vst v0;
	s22 =	smov.u32 s28;
	s26 =	smov.u32 s18  }
0x1b: {  	s20 =	sadd.s32 $0x40, s20;
	s18 =	sadd.s32 $0x10, s18;
	v0 =	vld [tilespmem:s29+$0x0]  }
0x1c: {  	_ = 	snop  }
0x1d: {  	s16 =	sand.u32 $0x180, s26;
	s18 =	sand.u32 $0x3FFFFE00, s22  }
0x1e: {  	s16 =	sor.u32 s16, s18  }
0x1f: {  	s14 =	sor.u32 s14, s16  }
0x20: {  	s20 =	simm.s32 $0x800;
	[tilespmem:s14+$0x800] =	vst v0  }
0x21: {  	[tilespmem:s13], [sflag:$0x1] =	stream.indirect.gather [hbm4b:s1+s11], $0x80, s20, s11, $0xb8;
	[tilespmem:$0x19000] =	vst v63  }
0x22: {  	s22 =	simm.s32 $0xA00  }
0x23: {  	[tilespmem:s15], [sflag:$0x1] =	stream.indirect.gather [hbm4b:s1+s11], $0x80, s22, s11, $0xb8;
	[tilespmem:$0x19000] =	vst v63  }
0x24: {  	s26 =	simm.s32 $0xC00  }
0x25: {  	[tilespmem:s17], [sflag:$0x1] =	stream.indirect.gather [hbm4b:s1+s11], $0x80, s26, s11, $0xb8;
	[tilespmem:$0x19000] =	vst v63  }
0x26: {  	s28 =	simm.s32 $0x880  }
0x27: {  	[tilespmem:s19], [sflag:$0x2] =	stream.indirect.gather [hbm4b:s1+s11], $0x80, s28, s11, $0xb8;
	[tilespmem:$0x19000] =	vst v63  }
0x28: {  	s29 =	simm.s32 $0xA80  }
0x29: {  	[tilespmem:s21], [sflag:$0x2] =	stream.indirect.gather [hbm4b:s1+s11], $0x80, s29, s11, $0xb8;
	[tilespmem:$0x19000] =	vst v63  }
0x2a: {  	s31 =	simm.s32 $0xC80  }
0x2b: {  	[tilespmem:s23], [sflag:$0x2] =	stream.indirect.gather [hbm4b:s1+s11], $0x80, s31, s11, $0xb8;
	[tilespmem:$0x19000] =	vst v63  }
0x2c: {  	_ =	swait.ge [sflag:s24], $0x4000  }
0x2d: {  	[sflag:s24] =	ssyncset.done $0x0  }
0x2e: {  	[sflag:s24] =	ssyncadd.s32 $0xFFFFC000  }
0x2f: {  	_ =	swait.ge [sflag:s24], $0x4000  }
0x30: {  	[sflag:s24] =	ssyncset.done $0x0  }
0x31: {  	[sflag:s24] =	ssyncadd.s32 $0xFFFFC000  }
0x32: {  	_ =	swait.ge [sflag:s24], $0x4000  }
0x33: {  	[sflag:s24] =	ssyncset.done $0x0  }
0x34: {  	s14 =	simm.s32 $0x0;
	[sflag:s24] =	ssyncadd.s32 $0xFFFFC000  }
0x35: {  	s16 =	simm.s32 $0x200;
	v0 =	vld [tilespmem:s14+$0x5070]  }
.LBB2_4:
0x36: {  	p0 =	sne.s32 s16, $0xFE00;
	v1 =	vld [tilespmem:s14+$0x9070]  }
0x37: {  	v2 =	vld [tilespmem:s14+$0x5000]  }
0x38: {  	v3 =	vld [tilespmem:s14+$0x9000]  }
0x39: {  	v4 =	vld [tilespmem:s14+$0x5010]  }
0x3a: {  	v5 =	vld [tilespmem:s14+$0x9010]  }
0x3b: {  	v6 =	vld [tilespmem:s14+$0x5020];
	v0 =	vadd.f32 v1, v0  }
0x3c: {  	v1 =	vld [tilespmem:s14+$0x9020]  }
0x3d: {  	v2 =	vadd.f32 v3, v2;
	[tilespmem:s14+$0x1070] =	vst.add.f32.msk $0xffff, v0  }
0x3e: {  	v0 =	vld [tilespmem:s14+$0x5030]  }
0x3f: {  	v3 =	vadd.f32 v5, v4;
	v4 =	vld [tilespmem:s14+$0x9030]  }
0x40: {  	v5 =	vld [tilespmem:s14+$0x5040]  }
0x41: {  	v1 =	vadd.f32 v1, v6;
	v6 =	vld [tilespmem:s14+$0x9040]  }
0x42: {  	v7 =	vld [tilespmem:s14+$0x5050]  }
0x43: {  	v8 =	vld [tilespmem:s14+$0x9050]  }
0x44: {  	v0 =	vadd.f32 v4, v0;
	v4 =	vld [tilespmem:s14+$0x5060]  }
0x45: {  	v9 =	vld [tilespmem:s14+$0x9060]  }
0x46: {  	[tilespmem:s14+$0x1000] =	vst.add.f32.msk $0xffff, v2;
	v2 =	vadd.f32 v6, v5  }
0x47: {  	[tilespmem:s14+$0x1010] =	vst.add.f32.msk $0xffff, v3  }
0x48: {  	[tilespmem:s14+$0x1020] =	vst.add.f32.msk $0xffff, v1;
	v1 =	vadd.f32 v8, v7  }
.Ltmp1:
0x49: {  	[tilespmem:s14+$0x1030] =	vst.add.f32.msk $0xffff, v0;
	(pc) =	sbr.rel @p0 .LBB2_4-.Ltmp1, $4  }
0x4a: {  	[tilespmem:s14+$0x1040] =	vst.add.f32.msk $0xffff, v2;
	v0 =	vadd.f32 v9, v4  }
0x4b: {  	[tilespmem:s14+$0x1050] =	vst.add.f32.msk $0xffff, v1  }
0x4c: {  	[tilespmem:s14+$0x1060] =	vst.add.f32.msk $0xffff, v0;
	s14 =	sshra.s32 s16, $0x2  }
0x4d: {  	s16 =	sadd.s32 $0x200, s16;
	v0 =	vld [tilespmem:s14+$0x5070]  }
0x4e: {  	v1 =	vld [tilespmem:s14+$0x9070]  }
0x4f: {  	v2 =	vld [tilespmem:s14+$0x5000]  }
0x50: {  	v3 =	vld [tilespmem:s14+$0x9000]  }
0x51: {  	v4 =	vld [tilespmem:s14+$0x5010]  }
0x52: {  	v5 =	vld [tilespmem:s14+$0x9010]  }
0x53: {  	v6 =	vld [tilespmem:s14+$0x5020]  }
0x54: {  	v7 =	vld [tilespmem:s14+$0x9030]  }
0x55: {  	v8 =	vld [tilespmem:s14+$0x5040]  }
0x56: {  	v9 =	vld [tilespmem:s14+$0x9040]  }
0x57: {  	v10 =	vld [tilespmem:s14+$0x5050]  }
0x58: {  	v11 =	vld [tilespmem:s14+$0x9050];
	v0 =	vadd.f32 v1, v0  }
0x59: {  	v1 =	vld [tilespmem:s14+$0x9020]  }
0x5a: {  	[tilespmem:s14+$0x1070] =	vst.add.f32.msk $0xffff, v0  }
0x5b: {  	v0 =	vld [tilespmem:s14+$0x5030]  }
0x5c: {  	v63 =	vld [tilespmem:s14+$0x9060];
	v2 =	vadd.f32 v3, v2  }
0x5d: {  	v3 =	vld [tilespmem:s14+$0x5060];
	v4 =	vadd.f32 v5, v4  }
0x5e: {  	[tilespmem:s14+$0x1000] =	vst.add.f32.msk $0xffff, v2;
	v2 =	vadd.f32 v9, v8  }
0x5f: {  	[tilespmem:s14+$0x1010] =	vst.add.f32.msk $0xffff, v4;
	v1 =	vadd.f32 v1, v6  }
0x60: {  	[tilespmem:s14+$0x1040] =	vst.add.f32.msk $0xffff, v2;
	v0 =	vadd.f32 v7, v0  }
0x61: {  	[tilespmem:s14+$0x1020] =	vst.add.f32.msk $0xffff, v1;
	v1 =	vadd.f32 v11, v10  }
0x62: {  	[tilespmem:s14+$0x1030] =	vst.add.f32.msk $0xffff, v0;
	v0 =	vadd.f32 v63, v3  }
0x63: {  	[tilespmem:s14+$0x1050] =	vst.add.f32.msk $0xffff, v1  }
0x64: {  	s26 =	simm.s32 $0x0;
	[tilespmem:s14+$0x1060] =	vst.add.f32.msk $0xffff, v0  }
0x65: {  	[hbm4b:s4+s26] =	stream.linear.scatter [tilespmem:s13], [sflag:$0x3], $0x4000, $0x38;
	[tilespmem:$0x19000] =	vst v63  }
0x66: {  	_ =	swait.ge [sflag:s25], $0x4000  }
0x67: {  	[sflag:s25] =	ssyncset.done $0x0  }
0x68: {  	s28 =	simm.s32 $0x900;
	[sflag:s25] =	ssyncadd.s32 $0xFFFFC000  }
0x69: {  	[tilespmem:s13], [sflag:$0x1] =	stream.indirect.gather [hbm4b:s1+s11], $0x80, s28, s11, $0xb8;
	[tilespmem:$0x19000] =	vst v63  }
0x6a: {  	s29 =	simm.s32 $0xB00  }
0x6b: {  	[tilespmem:s15], [sflag:$0x1] =	stream.indirect.gather [hbm4b:s1+s11], $0x80, s29, s11, $0xb8;
	[tilespmem:$0x19000] =	vst v63  }
0x6c: {  	s31 =	simm.s32 $0xD00  }
0x6d: {  	[tilespmem:s17], [sflag:$0x1] =	stream.indirect.gather [hbm4b:s1+s11], $0x80, s31, s11, $0xb8;
	[tilespmem:$0x19000] =	vst v63  }
0x6e: {  	_ =	swait.ge [sflag:s30], $0x4000  }
0x6f: {  	[sflag:s30] =	ssyncset.done $0x0  }
0x70: {  	[sflag:s30] =	ssyncadd.s32 $0xFFFFC000  }
0x71: {  	_ =	swait.ge [sflag:s30], $0x4000  }
0x72: {  	[sflag:s30] =	ssyncset.done $0x0  }
0x73: {  	[sflag:s30] =	ssyncadd.s32 $0xFFFFC000  }
0x74: {  	_ =	swait.ge [sflag:s30], $0x4000  }
0x75: {  	[sflag:s30] =	ssyncset.done $0x0  }
0x76: {  	s14 =	simm.s32 $0x0;
	[sflag:s30] =	ssyncadd.s32 $0xFFFFC000  }
0x77: {  	s16 =	simm.s32 $0x200;
	v0 =	vld [tilespmem:s14+$0x11070]  }
.LBB2_6:
0x78: {  	p0 =	sne.s32 s16, $0xFE00;
	v1 =	vld [tilespmem:s14+$0x15070]  }
0x79: {  	v2 =	vld [tilespmem:s14+$0x11000]  }
0x7a: {  	v3 =	vld [tilespmem:s14+$0x15000]  }
0x7b: {  	v4 =	vld [tilespmem:s14+$0x11010]  }
0x7c: {  	v5 =	vld [tilespmem:s14+$0x15010]  }
0x7d: {  	v6 =	vld [tilespmem:s14+$0x11020];
	v0 =	vadd.f32 v1, v0  }
0x7e: {  	v1 =	vld [tilespmem:s14+$0x15020]  }
0x7f: {  	v2 =	vadd.f32 v3, v2;
	[tilespmem:s14+$0xD070] =	vst.add.f32.msk $0xffff, v0  }
0x80: {  	v0 =	vld [tilespmem:s14+$0x11030]  }
0x81: {  	v3 =	vadd.f32 v5, v4;
	v4 =	vld [tilespmem:s14+$0x15030]  }
0x82: {  	v5 =	vld [tilespmem:s14+$0x11040]  }
0x83: {  	v1 =	vadd.f32 v1, v6;
	v6 =	vld [tilespmem:s14+$0x15040]  }
0x84: {  	v7 =	vld [tilespmem:s14+$0x11050]  }
0x85: {  	v8 =	vld [tilespmem:s14+$0x15050]  }
0x86: {  	v0 =	vadd.f32 v4, v0;
	v4 =	vld [tilespmem:s14+$0x11060]  }
0x87: {  	v9 =	vld [tilespmem:s14+$0x15060]  }
0x88: {  	[tilespmem:s14+$0xD000] =	vst.add.f32.msk $0xffff, v2;
	v2 =	vadd.f32 v6, v5  }
0x89: {  	[tilespmem:s14+$0xD010] =	vst.add.f32.msk $0xffff, v3  }
0x8a: {  	[tilespmem:s14+$0xD020] =	vst.add.f32.msk $0xffff, v1;
	v1 =	vadd.f32 v8, v7  }
.Ltmp2:
0x8b: {  	[tilespmem:s14+$0xD030] =	vst.add.f32.msk $0xffff, v0;
	(pc) =	sbr.rel @p0 .LBB2_6-.Ltmp2, $4  }
0x8c: {  	[tilespmem:s14+$0xD040] =	vst.add.f32.msk $0xffff, v2;
	v0 =	vadd.f32 v9, v4  }
0x8d: {  	[tilespmem:s14+$0xD050] =	vst.add.f32.msk $0xffff, v1  }
0x8e: {  	[tilespmem:s14+$0xD060] =	vst.add.f32.msk $0xffff, v0;
	s14 =	sshra.s32 s16, $0x2  }
0x8f: {  	s16 =	sadd.s32 $0x200, s16;
	v0 =	vld [tilespmem:s14+$0x11070]  }
0x90: {  	v1 =	vld [tilespmem:s14+$0x15070]  }
0x91: {  	v2 =	vld [tilespmem:s14+$0x11000]  }
0x92: {  	v3 =	vld [tilespmem:s14+$0x15000]  }
0x93: {  	v4 =	vld [tilespmem:s14+$0x11010]  }
0x94: {  	v5 =	vld [tilespmem:s14+$0x15010]  }
0x95: {  	v6 =	vld [tilespmem:s14+$0x11020]  }
0x96: {  	v7 =	vld [tilespmem:s14+$0x15030]  }
0x97: {  	v8 =	vld [tilespmem:s14+$0x11040]  }
0x98: {  	v9 =	vld [tilespmem:s14+$0x15040]  }
0x99: {  	v10 =	vld [tilespmem:s14+$0x11050]  }
0x9a: {  	v11 =	vld [tilespmem:s14+$0x15050];
	v0 =	vadd.f32 v1, v0  }
0x9b: {  	v1 =	vld [tilespmem:s14+$0x15020]  }
0x9c: {  	[tilespmem:s14+$0xD070] =	vst.add.f32.msk $0xffff, v0  }
0x9d: {  	v0 =	vld [tilespmem:s14+$0x11030]  }
0x9e: {  	v63 =	vld [tilespmem:s14+$0x15060];
	v2 =	vadd.f32 v3, v2  }
0x9f: {  	v3 =	vld [tilespmem:s14+$0x11060];
	v4 =	vadd.f32 v5, v4  }
0xa0: {  	[tilespmem:s14+$0xD000] =	vst.add.f32.msk $0xffff, v2;
	v2 =	vadd.f32 v9, v8  }
0xa1: {  	[tilespmem:s14+$0xD010] =	vst.add.f32.msk $0xffff, v4;
	v1 =	vadd.f32 v1, v6  }
0xa2: {  	[tilespmem:s14+$0xD040] =	vst.add.f32.msk $0xffff, v2;
	v0 =	vadd.f32 v7, v0  }
0xa3: {  	[tilespmem:s14+$0xD020] =	vst.add.f32.msk $0xffff, v1;
	v1 =	vadd.f32 v11, v10  }
0xa4: {  	[tilespmem:s14+$0xD030] =	vst.add.f32.msk $0xffff, v0;
	v0 =	vadd.f32 v63, v3  }
0xa5: {  	[tilespmem:s14+$0xD050] =	vst.add.f32.msk $0xffff, v1  }
0xa6: {  	s29 =	simm.s32 $0x0;
	[tilespmem:s14+$0xD060] =	vst.add.f32.msk $0xffff, v0  }
0xa7: {  	[hbm4b:s6+s29] =	stream.linear.scatter [tilespmem:s19], [sflag:$0x3], $0x4000, $0x38;
	[tilespmem:$0x19000] =	vst v63  }
0xa8: {  	_ =	swait.ge [sflag:s25], $0x4000  }
0xa9: {  	[sflag:s25] =	ssyncset.done $0x0  }
0xaa: {  	s31 =	simm.s32 $0x980;
	[sflag:s25] =	ssyncadd.s32 $0xFFFFC000  }
0xab: {  	[tilespmem:s19], [sflag:$0x2] =	stream.indirect.gather [hbm4b:s1+s11], $0x80, s31, s11, $0xb8;
	[tilespmem:$0x19000] =	vst v63  }
0xac: {  	_ = 	snop  }
0xad: {  	[tilespmem:s21], [sflag:$0x2] =	stream.indirect.gather [hbm4b:s1+s11], $0x80, s0, s11, $0xb8;
	[tilespmem:$0x19000] =	vst v63  }
0xae: {  	_ = 	snop  }
0xaf: {  	[tilespmem:s23], [sflag:$0x2] =	stream.indirect.gather [hbm4b:s1+s11], $0x80, s2, s11, $0xb8;
	[tilespmem:$0x19000] =	vst v63  }
0xb0: {  	_ =	swait.ge [sflag:s24], $0x4000  }
0xb1: {  	[sflag:s24] =	ssyncset.done $0x0  }
0xb2: {  	[sflag:s24] =	ssyncadd.s32 $0xFFFFC000  }
0xb3: {  	_ =	swait.ge [sflag:s24], $0x4000  }
0xb4: {  	[sflag:s24] =	ssyncset.done $0x0  }
0xb5: {  	[sflag:s24] =	ssyncadd.s32 $0xFFFFC000  }
0xb6: {  	_ =	swait.ge [sflag:s24], $0x4000  }
0xb7: {  	[sflag:s24] =	ssyncset.done $0x0  }
0xb8: {  	s14 =	simm.s32 $0x0;
	[sflag:s24] =	ssyncadd.s32 $0xFFFFC000  }
0xb9: {  	s16 =	simm.s32 $0x200;
	v0 =	vld [tilespmem:s14+$0x5070]  }
.LBB2_8:
0xba: {  	p0 =	sne.s32 s16, $0xFE00;
	v1 =	vld [tilespmem:s14+$0x9070]  }
0xbb: {  	v2 =	vld [tilespmem:s14+$0x5000]  }
0xbc: {  	v3 =	vld [tilespmem:s14+$0x9000]  }
0xbd: {  	v4 =	vld [tilespmem:s14+$0x5010]  }
0xbe: {  	v5 =	vld [tilespmem:s14+$0x9010]  }
0xbf: {  	v6 =	vld [tilespmem:s14+$0x5020];
	v0 =	vadd.f32 v1, v0  }
0xc0: {  	v1 =	vld [tilespmem:s14+$0x9020]  }
0xc1: {  	v2 =	vadd.f32 v3, v2;
	[tilespmem:s14+$0x1070] =	vst.add.f32.msk $0xffff, v0  }
0xc2: {  	v0 =	vld [tilespmem:s14+$0x5030]  }
0xc3: {  	v3 =	vadd.f32 v5, v4;
	v4 =	vld [tilespmem:s14+$0x9030]  }
0xc4: {  	v5 =	vld [tilespmem:s14+$0x5040]  }
0xc5: {  	v1 =	vadd.f32 v1, v6;
	v6 =	vld [tilespmem:s14+$0x9040]  }
0xc6: {  	v7 =	vld [tilespmem:s14+$0x5050]  }
0xc7: {  	v8 =	vld [tilespmem:s14+$0x9050]  }
0xc8: {  	v0 =	vadd.f32 v4, v0;
	v4 =	vld [tilespmem:s14+$0x5060]  }
0xc9: {  	v9 =	vld [tilespmem:s14+$0x9060]  }
0xca: {  	[tilespmem:s14+$0x1000] =	vst.add.f32.msk $0xffff, v2;
	v2 =	vadd.f32 v6, v5  }
0xcb: {  	[tilespmem:s14+$0x1010] =	vst.add.f32.msk $0xffff, v3  }
0xcc: {  	[tilespmem:s14+$0x1020] =	vst.add.f32.msk $0xffff, v1;
	v1 =	vadd.f32 v8, v7  }
.Ltmp3:
0xcd: {  	[tilespmem:s14+$0x1030] =	vst.add.f32.msk $0xffff, v0;
	(pc) =	sbr.rel @p0 .LBB2_8-.Ltmp3, $4  }
0xce: {  	[tilespmem:s14+$0x1040] =	vst.add.f32.msk $0xffff, v2;
	v0 =	vadd.f32 v9, v4  }
0xcf: {  	[tilespmem:s14+$0x1050] =	vst.add.f32.msk $0xffff, v1  }
0xd0: {  	[tilespmem:s14+$0x1060] =	vst.add.f32.msk $0xffff, v0;
	s14 =	sshra.s32 s16, $0x2  }
0xd1: {  	s16 =	sadd.s32 $0x200, s16;
	v0 =	vld [tilespmem:s14+$0x5070]  }
0xd2: {  	v1 =	vld [tilespmem:s14+$0x9070]  }
0xd3: {  	v2 =	vld [tilespmem:s14+$0x5000]  }
0xd4: {  	v3 =	vld [tilespmem:s14+$0x9000]  }
0xd5: {  	v4 =	vld [tilespmem:s14+$0x5010]  }
0xd6: {  	v5 =	vld [tilespmem:s14+$0x9010]  }
0xd7: {  	v6 =	vld [tilespmem:s14+$0x5020]  }
0xd8: {  	v7 =	vld [tilespmem:s14+$0x9030]  }
0xd9: {  	v8 =	vld [tilespmem:s14+$0x5040]  }
0xda: {  	v9 =	vld [tilespmem:s14+$0x9040]  }
0xdb: {  	v10 =	vld [tilespmem:s14+$0x5050]  }
0xdc: {  	v11 =	vld [tilespmem:s14+$0x9050];
	v0 =	vadd.f32 v1, v0  }
0xdd: {  	v1 =	vld [tilespmem:s14+$0x9020]  }
0xde: {  	[tilespmem:s14+$0x1070] =	vst.add.f32.msk $0xffff, v0  }
0xdf: {  	v0 =	vld [tilespmem:s14+$0x5030]  }
0xe0: {  	v63 =	vld [tilespmem:s14+$0x9060];
	v2 =	vadd.f32 v3, v2  }
0xe1: {  	v3 =	vld [tilespmem:s14+$0x5060];
	v4 =	vadd.f32 v5, v4  }
0xe2: {  	[tilespmem:s14+$0x1000] =	vst.add.f32.msk $0xffff, v2;
	v2 =	vadd.f32 v9, v8  }
0xe3: {  	[tilespmem:s14+$0x1010] =	vst.add.f32.msk $0xffff, v4;
	v1 =	vadd.f32 v1, v6  }
0xe4: {  	[tilespmem:s14+$0x1040] =	vst.add.f32.msk $0xffff, v2;
	v0 =	vadd.f32 v7, v0  }
0xe5: {  	[tilespmem:s14+$0x1020] =	vst.add.f32.msk $0xffff, v1;
	v1 =	vadd.f32 v11, v10  }
0xe6: {  	[tilespmem:s14+$0x1030] =	vst.add.f32.msk $0xffff, v0;
	v0 =	vadd.f32 v63, v3  }
0xe7: {  	[tilespmem:s14+$0x1050] =	vst.add.f32.msk $0xffff, v1  }
0xe8: {  	s31 =	simm.s32 $0x0;
	[tilespmem:s14+$0x1060] =	vst.add.f32.msk $0xffff, v0  }
0xe9: {  	[hbm4b:s7+s31] =	stream.linear.scatter [tilespmem:s13], [sflag:$0x3], $0x4000, $0x38;
	[tilespmem:$0x19000] =	vst v63  }
0xea: {  	_ =	swait.ge [sflag:s30], $0x4000  }
0xeb: {  	[sflag:s30] =	ssyncset.done $0x0  }
0xec: {  	[sflag:s30] =	ssyncadd.s32 $0xFFFFC000  }
0xed: {  	_ =	swait.ge [sflag:s30], $0x4000  }
0xee: {  	[sflag:s30] =	ssyncset.done $0x0  }
0xef: {  	[sflag:s30] =	ssyncadd.s32 $0xFFFFC000  }
0xf0: {  	_ =	swait.ge [sflag:s30], $0x4000  }
0xf1: {  	[sflag:s30] =	ssyncset.done $0x0  }
0xf2: {  	s14 =	simm.s32 $0x0;
	[sflag:s30] =	ssyncadd.s32 $0xFFFFC000  }
0xf3: {  	s16 =	simm.s32 $0x200;
	v0 =	vld [tilespmem:s14+$0x11070]  }
.LBB2_10:
0xf4: {  	p0 =	sne.s32 s16, $0xFE00;
	v1 =	vld [tilespmem:s14+$0x15070]  }
0xf5: {  	v2 =	vld [tilespmem:s14+$0x11000]  }
0xf6: {  	v3 =	vld [tilespmem:s14+$0x15000]  }
0xf7: {  	v4 =	vld [tilespmem:s14+$0x11010]  }
0xf8: {  	v5 =	vld [tilespmem:s14+$0x15010]  }
0xf9: {  	v6 =	vld [tilespmem:s14+$0x11020];
	v0 =	vadd.f32 v1, v0  }
0xfa: {  	v1 =	vld [tilespmem:s14+$0x15020]  }
0xfb: {  	v2 =	vadd.f32 v3, v2;
	[tilespmem:s14+$0xD070] =	vst.add.f32.msk $0xffff, v0  }
0xfc: {  	v0 =	vld [tilespmem:s14+$0x11030]  }
0xfd: {  	v3 =	vadd.f32 v5, v4;
	v4 =	vld [tilespmem:s14+$0x15030]  }
0xfe: {  	v5 =	vld [tilespmem:s14+$0x11040]  }
0xff: {  	v1 =	vadd.f32 v1, v6;
	v6 =	vld [tilespmem:s14+$0x15040]  }
0x100: {  	v7 =	vld [tilespmem:s14+$0x11050]  }
0x101: {  	v8 =	vld [tilespmem:s14+$0x15050]  }
0x102: {  	v0 =	vadd.f32 v4, v0;
	v4 =	vld [tilespmem:s14+$0x11060]  }
0x103: {  	v9 =	vld [tilespmem:s14+$0x15060]  }
0x104: {  	[tilespmem:s14+$0xD000] =	vst.add.f32.msk $0xffff, v2;
	v2 =	vadd.f32 v6, v5  }
0x105: {  	[tilespmem:s14+$0xD010] =	vst.add.f32.msk $0xffff, v3  }
0x106: {  	[tilespmem:s14+$0xD020] =	vst.add.f32.msk $0xffff, v1;
	v1 =	vadd.f32 v8, v7  }
.Ltmp4:
0x107: {  	[tilespmem:s14+$0xD030] =	vst.add.f32.msk $0xffff, v0;
	(pc) =	sbr.rel @p0 .LBB2_10-.Ltmp4, $4  }
0x108: {  	[tilespmem:s14+$0xD040] =	vst.add.f32.msk $0xffff, v2;
	v0 =	vadd.f32 v9, v4  }
0x109: {  	[tilespmem:s14+$0xD050] =	vst.add.f32.msk $0xffff, v1  }
0x10a: {  	[tilespmem:s14+$0xD060] =	vst.add.f32.msk $0xffff, v0;
	s14 =	sshra.s32 s16, $0x2  }
0x10b: {  	s16 =	sadd.s32 $0x200, s16;
	v0 =	vld [tilespmem:s14+$0x11070]  }
0x10c: {  	v1 =	vld [tilespmem:s14+$0x15070]  }
0x10d: {  	v2 =	vld [tilespmem:s14+$0x11000]  }
0x10e: {  	v3 =	vld [tilespmem:s14+$0x15000]  }
0x10f: {  	v4 =	vld [tilespmem:s14+$0x11010]  }
0x110: {  	v5 =	vld [tilespmem:s14+$0x15010]  }
0x111: {  	v6 =	vld [tilespmem:s14+$0x11020]  }
0x112: {  	v57 =	vld [tilespmem:s14+$0x15020]  }
0x113: {  	v58 =	vld [tilespmem:s14+$0x11030]  }
0x114: {  	v7 =	vld [tilespmem:s14+$0x15030]  }
0x115: {  	v8 =	vld [tilespmem:s14+$0x11040]  }
0x116: {  	v9 =	vld [tilespmem:s14+$0x15040]  }
0x117: {  	v10 =	vld [tilespmem:s14+$0x11050]  }
0x118: {  	v11 =	vld [tilespmem:s14+$0x15050]  }
0x119: {  	v59 =	vld [tilespmem:s14+$0x11060];
	v0 =	vadd.f32 v1, v0  }
0x11a: {  	v60 =	vld [tilespmem:s14+$0x15060];
	v2 =	vadd.f32 v3, v2  }
0x11b: {  	v4 =	vadd.f32 v5, v4;
	[tilespmem:s14+$0xD070] =	vst.add.f32.msk $0xffff, v0  }
0x11c: {  	v1 =	vadd.f32 v57, v6;
	[tilespmem:s14+$0xD000] =	vst.add.f32.msk $0xffff, v2  }
0x11d: {  	v61 =	vadd.f32 v9, v8;
	[tilespmem:s14+$0xD010] =	vst.add.f32.msk $0xffff, v4  }
0x11e: {  	v62 =	vadd.f32 v11, v10;
	[tilespmem:s14+$0xD020] =	vst.add.f32.msk $0xffff, v1  }
0x11f: {  	v63 =	vadd.f32 v60, v59;
	[tilespmem:s14+$0xD040] =	vst.add.f32.msk $0xffff, v61  }
0x120: {  	v0 =	vadd.f32 v7, v58;
	[tilespmem:s14+$0xD050] =	vst.add.f32.msk $0xffff, v62  }
0x121: {  	[tilespmem:s14+$0xD060] =	vst.add.f32.msk $0xffff, v63  }
0x122: {  	s12 =	sadd.s32 $0x1, s12;
	[tilespmem:s14+$0xD030] =	vst.add.f32.msk $0xffff, v0  }
0x123: {  	[hbm4b:s8+s3] =	stream.linear.scatter [tilespmem:s19], [sflag:$0x3], $0x4000, $0x38;
	[tilespmem:$0x19000] =	vst v63  }
0x124: {  	p0 =	sne.s32 s12, s9;
	_ =	swait.ge [sflag:s25], $0x4000  }
.Ltmp5:
0x125: {  	[sflag:s25] =	ssyncset.done $0x0;
	(pc) =	sbr.rel @p0 .LBB2_1-.Ltmp5, $4  }
0x126: {  	[sflag:s25] =	ssyncadd.s32 $0xFFFFC000  }
0x127: {  	_ =	swait.ge [sflag:s25], $0x4000  }
0x128: {  	[sflag:s25] =	ssyncset.done $0x0  }
0x129: {  	[sflag:s25] =	ssyncadd.s32 $0xFFFFC000  }
0x12a: {  	_ =	sfence.sel $0x180000  }
0x12b: {  	[bflag:$0x0] =	sbarrier.arrive $0xFFFF  }
0x12c: {  	_ =	strace $0x90000047  }
0x12d: {  	s0 =	stileid.u32;
	[bflag:$0x2] =	sbarrier.arrive $0xFFFF  }
0x12e: {  	p0 =	sne.s32 s0, $0x0;
	s0 =	rddreg [dreg:$0x3]  }
0x12f: {  	s0 =	sadd.s32 @!p0 $0x100000, s0  }
0x130: {  	[sflag:s0] =	ssyncadd.tile.s32 @!p0 $0x1;
	_ =	shalt  }
.Lfunc_end2:
_tile_overlayer_lowered:
.L_overlay_start_2:
0x131: {  	(tag) =	ssettag $0x2  }
0x132: {  	s0 =	rddreg [dreg:$0x0];
	s2 =	stileid.u32  }
0x133: {  	s1 =	rddreg [dreg:$0x1];
	p0 =	sne.s32 s2, $0x0  }
0x134: {  	s3 =	rddreg [dreg:$0x2];
	[bflag:$0x3] =	sbarrier.arrive $0xFFFF;
	s2 =	simm.s32 @!p0 $0x1C04  }
0x135: {  	[timem:s3], [sflag:s2] =	dma.local @!p0 [hbm:s0], s1  }
0x136: {  	s0 =	simm.s32 @!p0 $0x4  }
0x137: {  	_ =	swait.ge @!p0 [sflag:s0], s1  }
0x138: {  	s1 =	ssub.s32 @!p0 $0x0, s1;
	[sflag:s0] =	ssyncset.done @!p0 $0x0  }
0x139: {  	[sflag:s0] =	ssyncadd.s32 @!p0 s1  }
0x13a: {  	[bflag:$0x3] =	sbarrier.arrive $0xFFFF  }
0x13b: {  	_ =	shalt  }

</sc_bundles>
